<compile_context>
chip_gen: v7x
topology: tpu7x:2x2x1
jax: 0.10.2.dev20260603
libtpu: 0.0.44.dev20260713+nightly
codegen_flags: <defaults>
</compile_context>

<pallas_src>
import jax
import jax.numpy as jnp
from jax import lax
from jax.experimental import pallas as pl
from jax.experimental.pallas import tpu as pltpu
from jax.experimental.pallas import tpu_sc as plsc

VOCAB = 100000
EMB = 64
N_TOKENS = 200
BATCH = 4096

NC = 2
NS = 16
NW = NC * NS
BBLK = BATCH // NW
PITCH = BBLK + 1


def _emb_kernel(xt_hbm, tok_hbm, pos_hbm, out_hbm,
                idx_v, pos_v, row_a, row_b, tr_a, tr_b,
                gsem_a, gsem_b, ssem_a, ssem_b):
    wid = lax.axis_index("s") * NC + lax.axis_index("c")

    pltpu.sync_copy(xt_hbm.at[:, wid], idx_v)
    pltpu.sync_copy(pos_hbm, pos_v)

    iota16 = lax.iota(jnp.int32, 16)
    e_base = [iota16 + (16 * c) for c in range(4)]

    def gather(t, buf, sem):
        pltpu.async_copy(tok_hbm.at[idx_v.at[t]], buf, sem)

    def wait_gather(buf, sem):
        pltpu.make_async_copy(tok_hbm.at[idx_v.at[0]], buf, sem).wait()

    def transpose_add(t, buf, tb):
        posv = [pos_v[t, pl.ds(16 * c, 16)] for c in range(4)]

        def body(r, _):
            rv = jnp.broadcast_to(r, (16,)).astype(jnp.int32)
            for c in range(4):
                v = buf[r, pl.ds(16 * c, 16)] + posv[c]
                plsc.store_scatter(tb, [e_base[c], rv], v)
            return 0

        lax.fori_loop(0, BBLK, body, 0, unroll=4)

    def store(t, tb, sem):
        for eo in range(8):
            pltpu.async_copy(tb.at[pl.ds(eo * 8, 8), pl.ds(0, BBLK)],
                             out_hbm.at[t, eo, wid], sem)

    def wait_store(tb, sem):
        for eo in range(8):
            pltpu.make_async_copy(tb.at[pl.ds(eo * 8, 8), pl.ds(0, BBLK)],
                                  out_hbm.at[0, 0, 0], sem).wait()

    bufs = ((row_a, tr_a, gsem_a, ssem_a), (row_b, tr_b, gsem_b, ssem_b))

    gather(0, row_a, gsem_a)

    def step(tt, _):
        for parity, (buf, tb, gsem, ssem) in enumerate(bufs):
            t = tt * 2 + parity
            obuf, _otb, ogsem, _ossem = bufs[1 - parity]

            @pl.when(t + 1 < N_TOKENS)
            def _():
                gather(t + 1, obuf, ogsem)

            wait_gather(buf, gsem)

            @pl.when(t >= 2)
            def _():
                wait_store(tb, ssem)

            transpose_add(t, buf, tb)
            store(t, tb, ssem)
        return 0

    lax.fori_loop(0, N_TOKENS // 2, step, 0)
    wait_store(tr_a, ssem_a)
    wait_store(tr_b, ssem_b)


@jax.jit
def kernel(x, tok_table, pos_table):
    xt = x.T.reshape(N_TOKENS, NW, BBLK).astype(jnp.int32)

    mesh = plsc.VectorSubcoreMesh(core_axis_name="c", subcore_axis_name="s",
                                  num_cores=NC, num_subcores=NS)
    out = pl.kernel(
        _emb_kernel,
        out_type=jax.ShapeDtypeStruct((N_TOKENS, EMB // 8, NW, 8, BBLK),
                                      jnp.float32),
        mesh=mesh,
        scratch_types=[
            pltpu.VMEM((N_TOKENS, BBLK), jnp.int32),
            pltpu.VMEM((N_TOKENS, EMB), jnp.float32),
            pltpu.VMEM((BBLK, EMB), jnp.float32),
            pltpu.VMEM((BBLK, EMB), jnp.float32),
            pltpu.VMEM((EMB, PITCH), jnp.float32),
            pltpu.VMEM((EMB, PITCH), jnp.float32),
            pltpu.SemaphoreType.DMA,
            pltpu.SemaphoreType.DMA,
            pltpu.SemaphoreType.DMA,
            pltpu.SemaphoreType.DMA,
        ],
        compiler_params=pltpu.CompilerParams(use_tc_tiling_on_sc=False,
                                             needs_layout_passes=False),
    )(xt, tok_table, pos_table)
    return out.transpose(2, 4, 0, 1, 3).reshape(BATCH, N_TOKENS, EMB)

# --- scband reference (transcript-rebuilt; emitter-appended) ---
"""Pipeline reference for scband-transformer-embeddings-62929860821056 (READ-ONLY COPY).

The authoritative reference and input builder live on the scoring server;
editing this copy changes nothing except your own understanding.
"""

import jax, jax.numpy as jnp
import numpy as np

VOCAB = 100000
EMB = 64
N_TOKENS = 200
BATCH = 4096

def setup_inputs(seed: int = 0) -> dict:
    key = jax.random.key(seed)
    k1, k2, k3 = jax.random.split(key, 3)
    x = jax.random.randint(k1, (BATCH, N_TOKENS), 0, VOCAB, dtype=jnp.int64 if jax.config.jax_enable_x64 else jnp.int32)
    tok_table = jax.random.normal(k2, (VOCAB, EMB), dtype=jnp.float32) * 0.02
    pos_table = jax.random.normal(k3, (N_TOKENS, EMB), dtype=jnp.float32) * 0.02
    return {"x": x, "tok_table": tok_table, "pos_table": pos_table}

def reference(x, tok_table, pos_table):
    # position indices: arange(seq_len) broadcast over batch
    position_indices = jnp.arange(x.shape[1])[None, :]
    position_indices = jnp.broadcast_to(position_indices, x.shape)
    tokens = jnp.take(tok_table, x, axis=0)
    positions = jnp.take(pos_table, position_indices, axis=0)
    # dropout is identity in eval/reference mode
    return tokens + positions

if __name__ == "__main__":
    import jax
    _d = setup_inputs()
    print(jax.jit(kernel)(*tuple(_d.values())))

</pallas_src>

<mosaic_0001>
#map = affine_map<(d0, d1) -> (0, 0, 0)>
#map1 = affine_map<(d0, d1) -> (0, 0)>
#map2 = affine_map<(d0, d1) -> (0, 0, 0, 0, 0)>
module attributes {stable_mosaic.version = 14 : i64} {
  func.func @_emb_kernel(%arg0: i32, %arg1: i32, %arg2: memref<200x32x128xi32, #tpu.memory_space<hbm>>, %arg3: memref<100000x64xf32, #tpu.memory_space<hbm>>, %arg4: memref<200x64xf32, #tpu.memory_space<hbm>>, %arg5: memref<200x8x32x8x128xf32, #tpu.memory_space<hbm>>, %arg6: memref<200x128xi32, #tpu.memory_space<vmem>>, %arg7: memref<200x64xf32, #tpu.memory_space<vmem>>, %arg8: memref<128x64xf32, #tpu.memory_space<vmem>>, %arg9: memref<128x64xf32, #tpu.memory_space<vmem>>, %arg10: memref<64x129xf32, #tpu.memory_space<vmem>>, %arg11: memref<64x129xf32, #tpu.memory_space<vmem>>, %arg12: memref<!tpu.dma_semaphore, #tpu.memory_space<semaphore_mem>>, %arg13: memref<!tpu.dma_semaphore, #tpu.memory_space<semaphore_mem>>, %arg14: memref<!tpu.dma_semaphore, #tpu.memory_space<semaphore_mem>>, %arg15: memref<!tpu.dma_semaphore, #tpu.memory_space<semaphore_mem>>) attributes {dimension_semantics = [#tpu.dimension_semantics<core_parallel>, #tpu.dimension_semantics<subcore_parallel>], iteration_bounds = array<i64: 2, 16>, scalar_prefetch = 0 : i64, scratch_operands = 10 : i64, tpu.core_type = #tpu.core_type<sc_vector_subcore>, window_params = [{transform_indices = #map}, {transform_indices = #map1}, {transform_indices = #map1}, {transform_indices = #map2}]} {
    %mul3A = arith.constant 2 : i32
    %mul3A_0 = arith.muli %arg1, %mul3A : i32
    %add3A = arith.addi %mul3A_0, %arg0 : i32
    "tpu.region"() ({
      %run_scoped3A = tpu.sem_alloc : memref<!tpu.dma_semaphore, #tpu.memory_space<semaphore_mem>>
      %dma_start3A_296 = arith.constant 0 : i32
      %dma_start3A_297 = arith.constant 0 : i32
      %dma_start3A_298 = tpu.memref_slice %arg2[%dma_start3A_296, %add3A, %dma_start3A_297] : memref<200x32x128xi32, #tpu.memory_space<hbm>> -> memref<200x1x128xi32, #tpu.memory_space<hbm>>
      %dma_start3A_299 = tpu.memref_squeeze %dma_start3A_298 : memref<200x1x128xi32, #tpu.memory_space<hbm>> -> memref<200x128xi32, #tpu.memory_space<hbm>>
      %dma_start3A_300 = arith.constant 0 : i32
      %dma_start3A_301 = arith.constant 0 : i32
      %dma_start3A_302 = tpu.memref_slice %arg2[%dma_start3A_300, %add3A, %dma_start3A_301] : memref<200x32x128xi32, #tpu.memory_space<hbm>> -> memref<200x1x128xi32, #tpu.memory_space<hbm>>
      %dma_start3A_303 = tpu.memref_squeeze %dma_start3A_302 : memref<200x1x128xi32, #tpu.memory_space<hbm>> -> memref<200x128xi32, #tpu.memory_space<hbm>>
      tpu.enqueue_dma source(%dma_start3A_303 : memref<200x128xi32, #tpu.memory_space<hbm>>) target(%arg6 : memref<200x128xi32, #tpu.memory_space<vmem>>) target_semaphore(%run_scoped3A : memref<!tpu.dma_semaphore, #tpu.memory_space<semaphore_mem>>)
      %dma_wait3A_304 = arith.constant 0 : i32
      %dma_wait3A_305 = arith.constant 0 : i32
      %dma_wait3A_306 = tpu.memref_slice %arg2[%dma_wait3A_304, %add3A, %dma_wait3A_305] : memref<200x32x128xi32, #tpu.memory_space<hbm>> -> memref<200x1x128xi32, #tpu.memory_space<hbm>>
      %dma_wait3A_307 = tpu.memref_squeeze %dma_wait3A_306 : memref<200x1x128xi32, #tpu.memory_space<hbm>> -> memref<200x128xi32, #tpu.memory_space<hbm>>
      %dma_wait3A_308 = arith.constant 0 : i32
      %dma_wait3A_309 = arith.constant 0 : i32
      %dma_wait3A_310 = tpu.memref_slice %arg2[%dma_wait3A_308, %add3A, %dma_wait3A_309] : memref<200x32x128xi32, #tpu.memory_space<hbm>> -> memref<200x1x128xi32, #tpu.memory_space<hbm>>
      %dma_wait3A_311 = tpu.memref_squeeze %dma_wait3A_310 : memref<200x1x128xi32, #tpu.memory_space<hbm>> -> memref<200x128xi32, #tpu.memory_space<hbm>>
      tpu.wait_dma2 semaphore(%run_scoped3A : memref<!tpu.dma_semaphore, #tpu.memory_space<semaphore_mem>>) src(%dma_wait3A_311 : memref<200x128xi32, #tpu.memory_space<hbm>>) dst(%arg6 : memref<200x128xi32, #tpu.memory_space<vmem>>)
      tpu.yield
    }) : () -> ()
    "tpu.region"() ({
      %run_scoped3A = tpu.sem_alloc : memref<!tpu.dma_semaphore, #tpu.memory_space<semaphore_mem>>
      tpu.enqueue_dma source(%arg4 : memref<200x64xf32, #tpu.memory_space<hbm>>) target(%arg7 : memref<200x64xf32, #tpu.memory_space<vmem>>) target_semaphore(%run_scoped3A : memref<!tpu.dma_semaphore, #tpu.memory_space<semaphore_mem>>)
      tpu.wait_dma2 semaphore(%run_scoped3A : memref<!tpu.dma_semaphore, #tpu.memory_space<semaphore_mem>>) src(%arg4 : memref<200x64xf32, #tpu.memory_space<hbm>>) dst(%arg7 : memref<200x64xf32, #tpu.memory_space<vmem>>)
      tpu.yield
    }) : () -> ()
    %iota3A = tpu.iota {dimensions = array<i32: 0>} : vector<16xi32>
    %add3A_1 = arith.constant 0 : i32
    %add3A_2 = vector.broadcast %add3A_1 : i32 to vector<16xi32>
    %add3A_3 = arith.addi %iota3A, %add3A_2 : vector<16xi32>
    %add3A_4 = arith.constant 16 : i32
    %add3A_5 = vector.broadcast %add3A_4 : i32 to vector<16xi32>
    %add3A_6 = arith.addi %iota3A, %add3A_5 : vector<16xi32>
    %add3A_7 = arith.constant 32 : i32
    %add3A_8 = vector.broadcast %add3A_7 : i32 to vector<16xi32>
    %add3A_9 = arith.addi %iota3A, %add3A_8 : vector<16xi32>
    %add3A_10 = arith.constant 48 : i32
    %add3A_11 = vector.broadcast %add3A_10 : i32 to vector<16xi32>
    %add3A_12 = arith.addi %iota3A, %add3A_11 : vector<16xi32>
    %dma_start3A = arith.constant 0 : i32
    %dma_start3A_13 = arith.constant 0 : i32
    %dma_start3A_14 = tpu.memref_slice %arg6[%dma_start3A, %dma_start3A_13] : memref<200x128xi32, #tpu.memory_space<vmem>> -> memref<1x128xi32, #tpu.memory_space<vmem>>
    %dma_start3A_15 = tpu.memref_squeeze %dma_start3A_14 : memref<1x128xi32, #tpu.memory_space<vmem>> -> memref<128xi32, #tpu.memory_space<vmem>>
    %dma_start3A_16 = arith.constant 0 : i32
    %dma_start3A_17 = arith.constant 0 : i32
    %dma_start3A_18 = tpu.memref_slice %arg3[%dma_start3A_16, %dma_start3A_17] : memref<100000x64xf32, #tpu.memory_space<hbm>> -> memref<100000x64xf32, #tpu.memory_space<hbm>>
    tpu.enqueue_indirect_dma source(%dma_start3A_18 : memref<100000x64xf32, #tpu.memory_space<hbm>>) target(%arg8 : memref<128x64xf32, #tpu.memory_space<vmem>>) offsets(%dma_start3A_15 : memref<128xi32, #tpu.memory_space<vmem>>) semaphore(%arg12 : memref<!tpu.dma_semaphore, #tpu.memory_space<semaphore_mem>>)
    %scan3A = arith.constant 0 : i32
    %scan3A_19 = arith.constant 0 : i32
    %scan3A_20 = arith.constant 100 : i32
    %scan3A_21 = arith.addi %scan3A_19, %scan3A_20 : i32
    %scan3A_22 = arith.constant 1 : i32
    %scan3A_23 = scf.for %scan3A_296 = %scan3A_19 to %scan3A_21 step %scan3A_22 iter_args(%scan3A_297 = %scan3A) -> (i32)  : i32 {
      %mul3A_298 = arith.constant 2 : i32
      %mul3A_299 = arith.muli %scan3A_296, %mul3A_298 : i32
      %add3A_300 = arith.constant 0 : i32
      %add3A_301 = arith.addi %mul3A_299, %add3A_300 : i32
      %add3A_302 = arith.constant 1 : i32
      %add3A_303 = arith.addi %add3A_301, %add3A_302 : i32
      %lt3A = arith.constant 200 : i32
      %lt3A_304 = arith.cmpi slt, %add3A_303, %lt3A : i32
      %convert_element_type3A = arith.extui %lt3A_304 : i1 to i32
      %cond3A = arith.constant 0 : i32
      %cond3A_305 = arith.cmpi ne, %convert_element_type3A, %cond3A : i32
      scf.if %cond3A_305 {
        %add3A_618 = arith.constant 1 : i32
        %add3A_619 = arith.addi %add3A_301, %add3A_618 : i32
        %dma_start3A_620 = arith.constant 0 : i32
        %dma_start3A_621 = tpu.memref_slice %arg6[%add3A_619, %dma_start3A_620] : memref<200x128xi32, #tpu.memory_space<vmem>> -> memref<1x128xi32, #tpu.memory_space<vmem>>
        %dma_start3A_622 = tpu.memref_squeeze %dma_start3A_621 : memref<1x128xi32, #tpu.memory_space<vmem>> -> memref<128xi32, #tpu.memory_space<vmem>>
        %dma_start3A_623 = arith.constant 0 : i32
        %dma_start3A_624 = arith.constant 0 : i32
        %dma_start3A_625 = tpu.memref_slice %arg3[%dma_start3A_623, %dma_start3A_624] : memref<100000x64xf32, #tpu.memory_space<hbm>> -> memref<100000x64xf32, #tpu.memory_space<hbm>>
        tpu.enqueue_indirect_dma source(%dma_start3A_625 : memref<100000x64xf32, #tpu.memory_space<hbm>>) target(%arg9 : memref<128x64xf32, #tpu.memory_space<vmem>>) offsets(%dma_start3A_622 : memref<128xi32, #tpu.memory_space<vmem>>) semaphore(%arg13 : memref<!tpu.dma_semaphore, #tpu.memory_space<semaphore_mem>>)
      } else {
      }
      %dma_wait3A_306 = arith.constant 0 : i32
      %dma_wait3A_307 = arith.constant 0 : i32
      %dma_wait3A_308 = tpu.memref_slice %arg6[%dma_wait3A_306, %dma_wait3A_307] : memref<200x128xi32, #tpu.memory_space<vmem>> -> memref<1x128xi32, #tpu.memory_space<vmem>>
      %dma_wait3A_309 = tpu.memref_squeeze %dma_wait3A_308 : memref<1x128xi32, #tpu.memory_space<vmem>> -> memref<128xi32, #tpu.memory_space<vmem>>
      %dma_wait3A_310 = arith.constant 0 : i32
      %dma_wait3A_311 = arith.constant 0 : i32
      %dma_wait3A_312 = tpu.memref_slice %arg3[%dma_wait3A_310, %dma_wait3A_311] : memref<100000x64xf32, #tpu.memory_space<hbm>> -> memref<100000x64xf32, #tpu.memory_space<hbm>>
      tpu.wait_indirect_dma semaphore(%arg12 : memref<!tpu.dma_semaphore, #tpu.memory_space<semaphore_mem>>) src(%dma_wait3A_312 : memref<100000x64xf32, #tpu.memory_space<hbm>>) dst(%arg8 : memref<128x64xf32, #tpu.memory_space<vmem>>)
      %ge3A = arith.constant 2 : i32
      %ge3A_313 = arith.cmpi sge, %add3A_301, %ge3A : i32
      %convert_element_type3A_314 = arith.extui %ge3A_313 : i1 to i32
      %cond3A_315 = arith.constant 0 : i32
      %cond3A_316 = arith.cmpi ne, %convert_element_type3A_314, %cond3A_315 : i32
      scf.if %cond3A_316 {
        %dma_wait3A_618 = arith.constant 0 : i32
        %dma_wait3A_619 = arith.constant 0 : i32
        %dma_wait3A_620 = arith.constant 0 : i32
        %dma_wait3A_621 = arith.constant 0 : i32
        %dma_wait3A_622 = arith.constant 0 : i32
        %dma_wait3A_623 = tpu.memref_slice %arg10[%dma_wait3A_621, %dma_wait3A_622] : memref<64x129xf32, #tpu.memory_space<vmem>> -> memref<8x128xf32, #tpu.memory_space<vmem>>
        %dma_wait3A_624 = arith.constant 0 : i32
        %dma_wait3A_625 = arith.constant 0 : i32
        %dma_wait3A_626 = tpu.memref_slice %arg5[%dma_wait3A_618, %dma_wait3A_619, %dma_wait3A_620, %dma_wait3A_624, %dma_wait3A_625] : memref<200x8x32x8x128xf32, #tpu.memory_space<hbm>> -> memref<1x1x1x8x128xf32, #tpu.memory_space<hbm>>
        %dma_wait3A_627 = tpu.memref_squeeze %dma_wait3A_626 : memref<1x1x1x8x128xf32, #tpu.memory_space<hbm>> -> memref<8x128xf32, #tpu.memory_space<hbm>>
        %dma_wait3A_628 = arith.constant 0 : i32
        %dma_wait3A_629 = arith.constant 0 : i32
        %dma_wait3A_630 = tpu.memref_slice %arg5[%dma_wait3A_618, %dma_wait3A_619, %dma_wait3A_620, %dma_wait3A_628, %dma_wait3A_629] : memref<200x8x32x8x128xf32, #tpu.memory_space<hbm>> -> memref<1x1x1x8x128xf32, #tpu.memory_space<hbm>>
        %dma_wait3A_631 = tpu.memref_squeeze %dma_wait3A_630 : memref<1x1x1x8x128xf32, #tpu.memory_space<hbm>> -> memref<8x128xf32, #tpu.memory_space<hbm>>
        %dma_wait3A_632 = arith.constant 0 : i32
        %dma_wait3A_633 = arith.constant 0 : i32
        %dma_wait3A_634 = tpu.memref_slice %arg10[%dma_wait3A_632, %dma_wait3A_633] : memref<64x129xf32, #tpu.memory_space<vmem>> -> memref<8x128xf32, #tpu.memory_space<vmem>>
        tpu.wait_dma2 semaphore(%arg14 : memref<!tpu.dma_semaphore, #tpu.memory_space<semaphore_mem>>) src(%dma_wait3A_634 : memref<8x128xf32, #tpu.memory_space<vmem>>) dst(%dma_wait3A_631 : memref<8x128xf32, #tpu.memory_space<hbm>>)
        %dma_wait3A_635 = arith.constant 0 : i32
        %dma_wait3A_636 = arith.constant 0 : i32
        %dma_wait3A_637 = arith.constant 0 : i32
        %dma_wait3A_638 = arith.constant 8 : i32
        %dma_wait3A_639 = arith.constant 0 : i32
        %dma_wait3A_640 = tpu.memref_slice %arg10[%dma_wait3A_638, %dma_wait3A_639] : memref<64x129xf32, #tpu.memory_space<vmem>> -> memref<8x128xf32, #tpu.memory_space<vmem>>
        %dma_wait3A_641 = arith.constant 0 : i32
        %dma_wait3A_642 = arith.constant 0 : i32
        %dma_wait3A_643 = tpu.memref_slice %arg5[%dma_wait3A_635, %dma_wait3A_636, %dma_wait3A_637, %dma_wait3A_641, %dma_wait3A_642] : memref<200x8x32x8x128xf32, #tpu.memory_space<hbm>> -> memref<1x1x1x8x128xf32, #tpu.memory_space<hbm>>
        %dma_wait3A_644 = tpu.memref_squeeze %dma_wait3A_643 : memref<1x1x1x8x128xf32, #tpu.memory_space<hbm>> -> memref<8x128xf32, #tpu.memory_space<hbm>>
        %dma_wait3A_645 = arith.constant 0 : i32
        %dma_wait3A_646 = arith.constant 0 : i32
        %dma_wait3A_647 = tpu.memref_slice %arg5[%dma_wait3A_635, %dma_wait3A_636, %dma_wait3A_637, %dma_wait3A_645, %dma_wait3A_646] : memref<200x8x32x8x128xf32, #tpu.memory_space<hbm>> -> memref<1x1x1x8x128xf32, #tpu.memory_space<hbm>>
        %dma_wait3A_648 = tpu.memref_squeeze %dma_wait3A_647 : memref<1x1x1x8x128xf32, #tpu.memory_space<hbm>> -> memref<8x128xf32, #tpu.memory_space<hbm>>
        %dma_wait3A_649 = arith.constant 8 : i32
        %dma_wait3A_650 = arith.constant 0 : i32
        %dma_wait3A_651 = tpu.memref_slice %arg10[%dma_wait3A_649, %dma_wait3A_650] : memref<64x129xf32, #tpu.memory_space<vmem>> -> memref<8x128xf32, #tpu.memory_space<vmem>>
        tpu.wait_dma2 semaphore(%arg14 : memref<!tpu.dma_semaphore, #tpu.memory_space<semaphore_mem>>) src(%dma_wait3A_651 : memref<8x128xf32, #tpu.memory_space<vmem>>) dst(%dma_wait3A_648 : memref<8x128xf32, #tpu.memory_space<hbm>>)
        %dma_wait3A_652 = arith.constant 0 : i32
        %dma_wait3A_653 = arith.constant 0 : i32
        %dma_wait3A_654 = arith.constant 0 : i32
        %dma_wait3A_655 = arith.constant 16 : i32
        %dma_wait3A_656 = arith.constant 0 : i32
        %dma_wait3A_657 = tpu.memref_slice %arg10[%dma_wait3A_655, %dma_wait3A_656] : memref<64x129xf32, #tpu.memory_space<vmem>> -> memref<8x128xf32, #tpu.memory_space<vmem>>
        %dma_wait3A_658 = arith.constant 0 : i32
        %dma_wait3A_659 = arith.constant 0 : i32
        %dma_wait3A_660 = tpu.memref_slice %arg5[%dma_wait3A_652, %dma_wait3A_653, %dma_wait3A_654, %dma_wait3A_658, %dma_wait3A_659] : memref<200x8x32x8x128xf32, #tpu.memory_space<hbm>> -> memref<1x1x1x8x128xf32, #tpu.memory_space<hbm>>
        %dma_wait3A_661 = tpu.memref_squeeze %dma_wait3A_660 : memref<1x1x1x8x128xf32, #tpu.memory_space<hbm>> -> memref<8x128xf32, #tpu.memory_space<hbm>>
        %dma_wait3A_662 = arith.constant 0 : i32
        %dma_wait3A_663 = arith.constant 0 : i32
        %dma_wait3A_664 = tpu.memref_slice %arg5[%dma_wait3A_652, %dma_wait3A_653, %dma_wait3A_654, %dma_wait3A_662, %dma_wait3A_663] : memref<200x8x32x8x128xf32, #tpu.memory_space<hbm>> -> memref<1x1x1x8x128xf32, #tpu.memory_space<hbm>>
        %dma_wait3A_665 = tpu.memref_squeeze %dma_wait3A_664 : memref<1x1x1x8x128xf32, #tpu.memory_space<hbm>> -> memref<8x128xf32, #tpu.memory_space<hbm>>
        %dma_wait3A_666 = arith.constant 16 : i32
        %dma_wait3A_667 = arith.constant 0 : i32
        %dma_wait3A_668 = tpu.memref_slice %arg10[%dma_wait3A_666, %dma_wait3A_667] : memref<64x129xf32, #tpu.memory_space<vmem>> -> memref<8x128xf32, #tpu.memory_space<vmem>>
        tpu.wait_dma2 semaphore(%arg14 : memref<!tpu.dma_semaphore, #tpu.memory_space<semaphore_mem>>) src(%dma_wait3A_668 : memref<8x128xf32, #tpu.memory_space<vmem>>) dst(%dma_wait3A_665 : memref<8x128xf32, #tpu.memory_space<hbm>>)
        %dma_wait3A_669 = arith.constant 0 : i32
        %dma_wait3A_670 = arith.constant 0 : i32
        %dma_wait3A_671 = arith.constant 0 : i32
        %dma_wait3A_672 = arith.constant 24 : i32
        %dma_wait3A_673 = arith.constant 0 : i32
        %dma_wait3A_674 = tpu.memref_slice %arg10[%dma_wait3A_672, %dma_wait3A_673] : memref<64x129xf32, #tpu.memory_space<vmem>> -> memref<8x128xf32, #tpu.memory_space<vmem>>
        %dma_wait3A_675 = arith.constant 0 : i32
        %dma_wait3A_676 = arith.constant 0 : i32
        %dma_wait3A_677 = tpu.memref_slice %arg5[%dma_wait3A_669, %dma_wait3A_670, %dma_wait3A_671, %dma_wait3A_675, %dma_wait3A_676] : memref<200x8x32x8x128xf32, #tpu.memory_space<hbm>> -> memref<1x1x1x8x128xf32, #tpu.memory_space<hbm>>
        %dma_wait3A_678 = tpu.memref_squeeze %dma_wait3A_677 : memref<1x1x1x8x128xf32, #tpu.memory_space<hbm>> -> memref<8x128xf32, #tpu.memory_space<hbm>>
        %dma_wait3A_679 = arith.constant 0 : i32
        %dma_wait3A_680 = arith.constant 0 : i32
        %dma_wait3A_681 = tpu.memref_slice %arg5[%dma_wait3A_669, %dma_wait3A_670, %dma_wait3A_671, %dma_wait3A_679, %dma_wait3A_680] : memref<200x8x32x8x128xf32, #tpu.memory_space<hbm>> -> memref<1x1x1x8x128xf32, #tpu.memory_space<hbm>>
        %dma_wait3A_682 = tpu.memref_squeeze %dma_wait3A_681 : memref<1x1x1x8x128xf32, #tpu.memory_space<hbm>> -> memref<8x128xf32, #tpu.memory_space<hbm>>
        %dma_wait3A_683 = arith.constant 24 : i32
        %dma_wait3A_684 = arith.constant 0 : i32
        %dma_wait3A_685 = tpu.memref_slice %arg10[%dma_wait3A_683, %dma_wait3A_684] : memref<64x129xf32, #tpu.memory_space<vmem>> -> memref<8x128xf32, #tpu.memory_space<vmem>>
        tpu.wait_dma2 semaphore(%arg14 : memref<!tpu.dma_semaphore, #tpu.memory_space<semaphore_mem>>) src(%dma_wait3A_685 : memref<8x128xf32, #tpu.memory_space<vmem>>) dst(%dma_wait3A_682 : memref<8x128xf32, #tpu.memory_space<hbm>>)
        %dma_wait3A_686 = arith.constant 0 : i32
        %dma_wait3A_687 = arith.constant 0 : i32
        %dma_wait3A_688 = arith.constant 0 : i32
        %dma_wait3A_689 = arith.constant 32 : i32
        %dma_wait3A_690 = arith.constant 0 : i32
        %dma_wait3A_691 = tpu.memref_slice %arg10[%dma_wait3A_689, %dma_wait3A_690] : memref<64x129xf32, #tpu.memory_space<vmem>> -> memref<8x128xf32, #tpu.memory_space<vmem>>
        %dma_wait3A_692 = arith.constant 0 : i32
        %dma_wait3A_693 = arith.constant 0 : i32
        %dma_wait3A_694 = tpu.memref_slice %arg5[%dma_wait3A_686, %dma_wait3A_687, %dma_wait3A_688, %dma_wait3A_692, %dma_wait3A_693] : memref<200x8x32x8x128xf32, #tpu.memory_space<hbm>> -> memref<1x1x1x8x128xf32, #tpu.memory_space<hbm>>
        %dma_wait3A_695 = tpu.memref_squeeze %dma_wait3A_694 : memref<1x1x1x8x128xf32, #tpu.memory_space<hbm>> -> memref<8x128xf32, #tpu.memory_space<hbm>>
        %dma_wait3A_696 = arith.constant 0 : i32
        %dma_wait3A_697 = arith.constant 0 : i32
        %dma_wait3A_698 = tpu.memref_slice %arg5[%dma_wait3A_686, %dma_wait3A_687, %dma_wait3A_688, %dma_wait3A_696, %dma_wait3A_697] : memref<200x8x32x8x128xf32, #tpu.memory_space<hbm>> -> memref<1x1x1x8x128xf32, #tpu.memory_space<hbm>>
        %dma_wait3A_699 = tpu.memref_squeeze %dma_wait3A_698 : memref<1x1x1x8x128xf32, #tpu.memory_space<hbm>> -> memref<8x128xf32, #tpu.memory_space<hbm>>
        %dma_wait3A_700 = arith.constant 32 : i32
        %dma_wait3A_701 = arith.constant 0 : i32
        %dma_wait3A_702 = tpu.memref_slice %arg10[%dma_wait3A_700, %dma_wait3A_701] : memref<64x129xf32, #tpu.memory_space<vmem>> -> memref<8x128xf32, #tpu.memory_space<vmem>>
        tpu.wait_dma2 semaphore(%arg14 : memref<!tpu.dma_semaphore, #tpu.memory_space<semaphore_mem>>) src(%dma_wait3A_702 : memref<8x128xf32, #tpu.memory_space<vmem>>) dst(%dma_wait3A_699 : memref<8x128xf32, #tpu.memory_space<hbm>>)
        %dma_wait3A_703 = arith.constant 0 : i32
        %dma_wait3A_704 = arith.constant 0 : i32
        %dma_wait3A_705 = arith.constant 0 : i32
        %dma_wait3A_706 = arith.constant 40 : i32
        %dma_wait3A_707 = arith.constant 0 : i32
        %dma_wait3A_708 = tpu.memref_slice %arg10[%dma_wait3A_706, %dma_wait3A_707] : memref<64x129xf32, #tpu.memory_space<vmem>> -> memref<8x128xf32, #tpu.memory_space<vmem>>
        %dma_wait3A_709 = arith.constant 0 : i32
        %dma_wait3A_710 = arith.constant 0 : i32
        %dma_wait3A_711 = tpu.memref_slice %arg5[%dma_wait3A_703, %dma_wait3A_704, %dma_wait3A_705, %dma_wait3A_709, %dma_wait3A_710] : memref<200x8x32x8x128xf32, #tpu.memory_space<hbm>> -> memref<1x1x1x8x128xf32, #tpu.memory_space<hbm>>
        %dma_wait3A_712 = tpu.memref_squeeze %dma_wait3A_711 : memref<1x1x1x8x128xf32, #tpu.memory_space<hbm>> -> memref<8x128xf32, #tpu.memory_space<hbm>>
        %dma_wait3A_713 = arith.constant 0 : i32
        %dma_wait3A_714 = arith.constant 0 : i32
        %dma_wait3A_715 = tpu.memref_slice %arg5[%dma_wait3A_703, %dma_wait3A_704, %dma_wait3A_705, %dma_wait3A_713, %dma_wait3A_714] : memref<200x8x32x8x128xf32, #tpu.memory_space<hbm>> -> memref<1x1x1x8x128xf32, #tpu.memory_space<hbm>>
        %dma_wait3A_716 = tpu.memref_squeeze %dma_wait3A_715 : memref<1x1x1x8x128xf32, #tpu.memory_space<hbm>> -> memref<8x128xf32, #tpu.memory_space<hbm>>
        %dma_wait3A_717 = arith.constant 40 : i32
        %dma_wait3A_718 = arith.constant 0 : i32
        %dma_wait3A_719 = tpu.memref_slice %arg10[%dma_wait3A_717, %dma_wait3A_718] : memref<64x129xf32, #tpu.memory_space<vmem>> -> memref<8x128xf32, #tpu.memory_space<vmem>>
        tpu.wait_dma2 semaphore(%arg14 : memref<!tpu.dma_semaphore, #tpu.memory_space<semaphore_mem>>) src(%dma_wait3A_719 : memref<8x128xf32, #tpu.memory_space<vmem>>) dst(%dma_wait3A_716 : memref<8x128xf32, #tpu.memory_space<hbm>>)
        %dma_wait3A_720 = arith.constant 0 : i32
        %dma_wait3A_721 = arith.constant 0 : i32
        %dma_wait3A_722 = arith.constant 0 : i32
        %dma_wait3A_723 = arith.constant 48 : i32
        %dma_wait3A_724 = arith.constant 0 : i32
        %dma_wait3A_725 = tpu.memref_slice %arg10[%dma_wait3A_723, %dma_wait3A_724] : memref<64x129xf32, #tpu.memory_space<vmem>> -> memref<8x128xf32, #tpu.memory_space<vmem>>
        %dma_wait3A_726 = arith.constant 0 : i32
        %dma_wait3A_727 = arith.constant 0 : i32
        %dma_wait3A_728 = tpu.memref_slice %arg5[%dma_wait3A_720, %dma_wait3A_721, %dma_wait3A_722, %dma_wait3A_726, %dma_wait3A_727] : memref<200x8x32x8x128xf32, #tpu.memory_space<hbm>> -> memref<1x1x1x8x128xf32, #tpu.memory_space<hbm>>
        %dma_wait3A_729 = tpu.memref_squeeze %dma_wait3A_728 : memref<1x1x1x8x128xf32, #tpu.memory_space<hbm>> -> memref<8x128xf32, #tpu.memory_space<hbm>>
        %dma_wait3A_730 = arith.constant 0 : i32
        %dma_wait3A_731 = arith.constant 0 : i32
        %dma_wait3A_732 = tpu.memref_slice %arg5[%dma_wait3A_720, %dma_wait3A_721, %dma_wait3A_722, %dma_wait3A_730, %dma_wait3A_731] : memref<200x8x32x8x128xf32, #tpu.memory_space<hbm>> -> memref<1x1x1x8x128xf32, #tpu.memory_space<hbm>>
        %dma_wait3A_733 = tpu.memref_squeeze %dma_wait3A_732 : memref<1x1x1x8x128xf32, #tpu.memory_space<hbm>> -> memref<8x128xf32, #tpu.memory_space<hbm>>
        %dma_wait3A_734 = arith.constant 48 : i32
        %dma_wait3A_735 = arith.constant 0 : i32
        %dma_wait3A_736 = tpu.memref_slice %arg10[%dma_wait3A_734, %dma_wait3A_735] : memref<64x129xf32, #tpu.memory_space<vmem>> -> memref<8x128xf32, #tpu.memory_space<vmem>>
        tpu.wait_dma2 semaphore(%arg14 : memref<!tpu.dma_semaphore, #tpu.memory_space<semaphore_mem>>) src(%dma_wait3A_736 : memref<8x128xf32, #tpu.memory_space<vmem>>) dst(%dma_wait3A_733 : memref<8x128xf32, #tpu.memory_space<hbm>>)
        %dma_wait3A_737 = arith.constant 0 : i32
        %dma_wait3A_738 = arith.constant 0 : i32
        %dma_wait3A_739 = arith.constant 0 : i32
        %dma_wait3A_740 = arith.constant 56 : i32
        %dma_wait3A_741 = arith.constant 0 : i32
        %dma_wait3A_742 = tpu.memref_slice %arg10[%dma_wait3A_740, %dma_wait3A_741] : memref<64x129xf32, #tpu.memory_space<vmem>> -> memref<8x128xf32, #tpu.memory_space<vmem>>
        %dma_wait3A_743 = arith.constant 0 : i32
        %dma_wait3A_744 = arith.constant 0 : i32
        %dma_wait3A_745 = tpu.memref_slice %arg5[%dma_wait3A_737, %dma_wait3A_738, %dma_wait3A_739, %dma_wait3A_743, %dma_wait3A_744] : memref<200x8x32x8x128xf32, #tpu.memory_space<hbm>> -> memref<1x1x1x8x128xf32, #tpu.memory_space<hbm>>
        %dma_wait3A_746 = tpu.memref_squeeze %dma_wait3A_745 : memref<1x1x1x8x128xf32, #tpu.memory_space<hbm>> -> memref<8x128xf32, #tpu.memory_space<hbm>>
        %dma_wait3A_747 = arith.constant 0 : i32
        %dma_wait3A_748 = arith.constant 0 : i32
        %dma_wait3A_749 = tpu.memref_slice %arg5[%dma_wait3A_737, %dma_wait3A_738, %dma_wait3A_739, %dma_wait3A_747, %dma_wait3A_748] : memref<200x8x32x8x128xf32, #tpu.memory_space<hbm>> -> memref<1x1x1x8x128xf32, #tpu.memory_space<hbm>>
        %dma_wait3A_750 = tpu.memref_squeeze %dma_wait3A_749 : memref<1x1x1x8x128xf32, #tpu.memory_space<hbm>> -> memref<8x128xf32, #tpu.memory_space<hbm>>
        %dma_wait3A_751 = arith.constant 56 : i32
        %dma_wait3A_752 = arith.constant 0 : i32
        %dma_wait3A_753 = tpu.memref_slice %arg10[%dma_wait3A_751, %dma_wait3A_752] : memref<64x129xf32, #tpu.memory_space<vmem>> -> memref<8x128xf32, #tpu.memory_space<vmem>>
        tpu.wait_dma2 semaphore(%arg14 : memref<!tpu.dma_semaphore, #tpu.memory_space<semaphore_mem>>) src(%dma_wait3A_753 : memref<8x128xf32, #tpu.memory_space<vmem>>) dst(%dma_wait3A_750 : memref<8x128xf32, #tpu.memory_space<hbm>>)
      } else {
      }
      %get3A = arith.index_cast %add3A_301 : i32 to index
      %get3A_317 = arith.constant 0 : index
      %get3A_318 = tpu.vector_load %arg7[%get3A, %get3A_317] {strides = array<i32>} : memref<200x64xf32, #tpu.memory_space<vmem>>, vector<16xf32>,
      %get3A_319 = arith.index_cast %add3A_301 : i32 to index
      %get3A_320 = arith.constant 16 : index
      %get3A_321 = tpu.vector_load %arg7[%get3A_319, %get3A_320] {strides = array<i32>} : memref<200x64xf32, #tpu.memory_space<vmem>>, vector<16xf32>,
      %get3A_322 = arith.index_cast %add3A_301 : i32 to index
      %get3A_323 = arith.constant 32 : index
      %get3A_324 = tpu.vector_load %arg7[%get3A_322, %get3A_323] {strides = array<i32>} : memref<200x64xf32, #tpu.memory_space<vmem>>, vector<16xf32>,
      %get3A_325 = arith.index_cast %add3A_301 : i32 to index
      %get3A_326 = arith.constant 48 : index
      %get3A_327 = tpu.vector_load %arg7[%get3A_325, %get3A_326] {strides = array<i32>} : memref<200x64xf32, #tpu.memory_space<vmem>>, vector<16xf32>,
      %scan3A_328 = arith.constant 0 : i32
      %scan3A_329 = arith.constant 0 : i32
      %scan3A_330 = arith.constant 128 : i32
      %scan3A_331 = arith.addi %scan3A_329, %scan3A_330 : i32
      %scan3A_332 = arith.constant 4 : i32
      %scan3A_333 = scf.for %scan3A_618 = %scan3A_329 to %scan3A_331 step %scan3A_332 iter_args(%scan3A_619 = %scan3A_328) -> (i32)  : i32 {
        %broadcast_in_dim3A = vector.broadcast %scan3A_618 : i32 to vector<16xi32>
        %get3A_620 = arith.index_cast %scan3A_618 : i32 to index
        %get3A_621 = arith.constant 0 : index
        %get3A_622 = tpu.vector_load %arg8[%get3A_620, %get3A_621] {strides = array<i32>} : memref<128x64xf32, #tpu.memory_space<vmem>>, vector<16xf32>,
        %add3A_623 = arith.addf %get3A_622, %get3A_318 : vector<16xf32>
        tpu.vector_store_idx %arg10[%add3A_3, %broadcast_in_dim3A], %add3A_623 : memref<64x129xf32, #tpu.memory_space<vmem>>[vector<16xi32>, vector<16xi32>], vector<16xf32>,
        %get3A_624 = arith.index_cast %scan3A_618 : i32 to index
        %get3A_625 = arith.constant 16 : index
        %get3A_626 = tpu.vector_load %arg8[%get3A_624, %get3A_625] {strides = array<i32>} : memref<128x64xf32, #tpu.memory_space<vmem>>, vector<16xf32>,
        %add3A_627 = arith.addf %get3A_626, %get3A_321 : vector<16xf32>
        tpu.vector_store_idx %arg10[%add3A_6, %broadcast_in_dim3A], %add3A_627 : memref<64x129xf32, #tpu.memory_space<vmem>>[vector<16xi32>, vector<16xi32>], vector<16xf32>,
        %get3A_628 = arith.index_cast %scan3A_618 : i32 to index
        %get3A_629 = arith.constant 32 : index
        %get3A_630 = tpu.vector_load %arg8[%get3A_628, %get3A_629] {strides = array<i32>} : memref<128x64xf32, #tpu.memory_space<vmem>>, vector<16xf32>,
        %add3A_631 = arith.addf %get3A_630, %get3A_324 : vector<16xf32>
        tpu.vector_store_idx %arg10[%add3A_9, %broadcast_in_dim3A], %add3A_631 : memref<64x129xf32, #tpu.memory_space<vmem>>[vector<16xi32>, vector<16xi32>], vector<16xf32>,
        %get3A_632 = arith.index_cast %scan3A_618 : i32 to index
        %get3A_633 = arith.constant 48 : index
        %get3A_634 = tpu.vector_load %arg8[%get3A_632, %get3A_633] {strides = array<i32>} : memref<128x64xf32, #tpu.memory_space<vmem>>, vector<16xf32>,
        %add3A_635 = arith.addf %get3A_634, %get3A_327 : vector<16xf32>
        tpu.vector_store_idx %arg10[%add3A_12, %broadcast_in_dim3A], %add3A_635 : memref<64x129xf32, #tpu.memory_space<vmem>>[vector<16xi32>, vector<16xi32>], vector<16xf32>,
        %scan3A_636 = arith.constant 0 : i32
        %scan3A_637 = arith.constant 1 : i32
        %scan3A_638 = arith.addi %scan3A_618, %scan3A_637 : i32
        %broadcast_in_dim3A_639 = vector.broadcast %scan3A_638 : i32 to vector<16xi32>
        %get3A_640 = arith.index_cast %scan3A_638 : i32 to index
        %get3A_641 = arith.constant 0 : index
        %get3A_642 = tpu.vector_load %arg8[%get3A_640, %get3A_641] {strides = array<i32>} : memref<128x64xf32, #tpu.memory_space<vmem>>, vector<16xf32>,
        %add3A_643 = arith.addf %get3A_642, %get3A_318 : vector<16xf32>
        tpu.vector_store_idx %arg10[%add3A_3, %broadcast_in_dim3A_639], %add3A_643 : memref<64x129xf32, #tpu.memory_space<vmem>>[vector<16xi32>, vector<16xi32>], vector<16xf32>,
        %get3A_644 = arith.index_cast %scan3A_638 : i32 to index
        %get3A_645 = arith.constant 16 : index
        %get3A_646 = tpu.vector_load %arg8[%get3A_644, %get3A_645] {strides = array<i32>} : memref<128x64xf32, #tpu.memory_space<vmem>>, vector<16xf32>,
        %add3A_647 = arith.addf %get3A_646, %get3A_321 : vector<16xf32>
        tpu.vector_store_idx %arg10[%add3A_6, %broadcast_in_dim3A_639], %add3A_647 : memref<64x129xf32, #tpu.memory_space<vmem>>[vector<16xi32>, vector<16xi32>], vector<16xf32>,
        %get3A_648 = arith.index_cast %scan3A_638 : i32 to index
        %get3A_649 = arith.constant 32 : index
        %get3A_650 = tpu.vector_load %arg8[%get3A_648, %get3A_649] {strides = array<i32>} : memref<128x64xf32, #tpu.memory_space<vmem>>, vector<16xf32>,
        %add3A_651 = arith.addf %get3A_650, %get3A_324 : vector<16xf32>
        tpu.vector_store_idx %arg10[%add3A_9, %broadcast_in_dim3A_639], %add3A_651 : memref<64x129xf32, #tpu.memory_space<vmem>>[vector<16xi32>, vector<16xi32>], vector<16xf32>,
        %get3A_652 = arith.index_cast %scan3A_638 : i32 to index
        %get3A_653 = arith.constant 48 : index
        %get3A_654 = tpu.vector_load %arg8[%get3A_652, %get3A_653] {strides = array<i32>} : memref<128x64xf32, #tpu.memory_space<vmem>>, vector<16xf32>,
        %add3A_655 = arith.addf %get3A_654, %get3A_327 : vector<16xf32>
        tpu.vector_store_idx %arg10[%add3A_12, %broadcast_in_dim3A_639], %add3A_655 : memref<64x129xf32, #tpu.memory_space<vmem>>[vector<16xi32>, vector<16xi32>], vector<16xf32>,
        %scan3A_656 = arith.constant 0 : i32
        %scan3A_657 = arith.constant 2 : i32
        %scan3A_658 = arith.addi %scan3A_618, %scan3A_657 : i32
        %broadcast_in_dim3A_659 = vector.broadcast %scan3A_658 : i32 to vector<16xi32>
        %get3A_660 = arith.index_cast %scan3A_658 : i32 to index
        %get3A_661 = arith.constant 0 : index
        %get3A_662 = tpu.vector_load %arg8[%get3A_660, %get3A_661] {strides = array<i32>} : memref<128x64xf32, #tpu.memory_space<vmem>>, vector<16xf32>,
        %add3A_663 = arith.addf %get3A_662, %get3A_318 : vector<16xf32>
        tpu.vector_store_idx %arg10[%add3A_3, %broadcast_in_dim3A_659], %add3A_663 : memref<64x129xf32, #tpu.memory_space<vmem>>[vector<16xi32>, vector<16xi32>], vector<16xf32>,
        %get3A_664 = arith.index_cast %scan3A_658 : i32 to index
        %get3A_665 = arith.constant 16 : index
        %get3A_666 = tpu.vector_load %arg8[%get3A_664, %get3A_665] {strides = array<i32>} : memref<128x64xf32, #tpu.memory_space<vmem>>, vector<16xf32>,
        %add3A_667 = arith.addf %get3A_666, %get3A_321 : vector<16xf32>
        tpu.vector_store_idx %arg10[%add3A_6, %broadcast_in_dim3A_659], %add3A_667 : memref<64x129xf32, #tpu.memory_space<vmem>>[vector<16xi32>, vector<16xi32>], vector<16xf32>,
        %get3A_668 = arith.index_cast %scan3A_658 : i32 to index
        %get3A_669 = arith.constant 32 : index
        %get3A_670 = tpu.vector_load %arg8[%get3A_668, %get3A_669] {strides = array<i32>} : memref<128x64xf32, #tpu.memory_space<vmem>>, vector<16xf32>,
        %add3A_671 = arith.addf %get3A_670, %get3A_324 : vector<16xf32>
        tpu.vector_store_idx %arg10[%add3A_9, %broadcast_in_dim3A_659], %add3A_671 : memref<64x129xf32, #tpu.memory_space<vmem>>[vector<16xi32>, vector<16xi32>], vector<16xf32>,
        %get3A_672 = arith.index_cast %scan3A_658 : i32 to index
        %get3A_673 = arith.constant 48 : index
        %get3A_674 = tpu.vector_load %arg8[%get3A_672, %get3A_673] {strides = array<i32>} : memref<128x64xf32, #tpu.memory_space<vmem>>, vector<16xf32>,
        %add3A_675 = arith.addf %get3A_674, %get3A_327 : vector<16xf32>
        tpu.vector_store_idx %arg10[%add3A_12, %broadcast_in_dim3A_659], %add3A_675 : memref<64x129xf32, #tpu.memory_space<vmem>>[vector<16xi32>, vector<16xi32>], vector<16xf32>,
        %scan3A_676 = arith.constant 0 : i32
        %scan3A_677 = arith.constant 3 : i32
        %scan3A_678 = arith.addi %scan3A_618, %scan3A_677 : i32
        %broadcast_in_dim3A_679 = vector.broadcast %scan3A_678 : i32 to vector<16xi32>
        %get3A_680 = arith.index_cast %scan3A_678 : i32 to index
        %get3A_681 = arith.constant 0 : index
        %get3A_682 = tpu.vector_load %arg8[%get3A_680, %get3A_681] {strides = array<i32>} : memref<128x64xf32, #tpu.memory_space<vmem>>, vector<16xf32>,
        %add3A_683 = arith.addf %get3A_682, %get3A_318 : vector<16xf32>
        tpu.vector_store_idx %arg10[%add3A_3, %broadcast_in_dim3A_679], %add3A_683 : memref<64x129xf32, #tpu.memory_space<vmem>>[vector<16xi32>, vector<16xi32>], vector<16xf32>,
        %get3A_684 = arith.index_cast %scan3A_678 : i32 to index
        %get3A_685 = arith.constant 16 : index
        %get3A_686 = tpu.vector_load %arg8[%get3A_684, %get3A_685] {strides = array<i32>} : memref<128x64xf32, #tpu.memory_space<vmem>>, vector<16xf32>,
        %add3A_687 = arith.addf %get3A_686, %get3A_321 : vector<16xf32>
        tpu.vector_store_idx %arg10[%add3A_6, %broadcast_in_dim3A_679], %add3A_687 : memref<64x129xf32, #tpu.memory_space<vmem>>[vector<16xi32>, vector<16xi32>], vector<16xf32>,
        %get3A_688 = arith.index_cast %scan3A_678 : i32 to index
        %get3A_689 = arith.constant 32 : index
        %get3A_690 = tpu.vector_load %arg8[%get3A_688, %get3A_689] {strides = array<i32>} : memref<128x64xf32, #tpu.memory_space<vmem>>, vector<16xf32>,
        %add3A_691 = arith.addf %get3A_690, %get3A_324 : vector<16xf32>
        tpu.vector_store_idx %arg10[%add3A_9, %broadcast_in_dim3A_679], %add3A_691 : memref<64x129xf32, #tpu.memory_space<vmem>>[vector<16xi32>, vector<16xi32>], vector<16xf32>,
        %get3A_692 = arith.index_cast %scan3A_678 : i32 to index
        %get3A_693 = arith.constant 48 : index
        %get3A_694 = tpu.vector_load %arg8[%get3A_692, %get3A_693] {strides = array<i32>} : memref<128x64xf32, #tpu.memory_space<vmem>>, vector<16xf32>,
        %add3A_695 = arith.addf %get3A_694, %get3A_327 : vector<16xf32>
        tpu.vector_store_idx %arg10[%add3A_12, %broadcast_in_dim3A_679], %add3A_695 : memref<64x129xf32, #tpu.memory_space<vmem>>[vector<16xi32>, vector<16xi32>], vector<16xf32>,
        %scan3A_696 = arith.constant 0 : i32
        scf.yield %scan3A_696 : i32
      }
      %scan3A_334 = arith.constant 128 : i32
      %dma_start3A_335 = arith.constant 0 : i32
      %dma_start3A_336 = arith.constant 0 : i32
      %dma_start3A_337 = arith.constant 0 : i32
      %dma_start3A_338 = tpu.memref_slice %arg10[%dma_start3A_336, %dma_start3A_337] : memref<64x129xf32, #tpu.memory_space<vmem>> -> memref<8x128xf32, #tpu.memory_space<vmem>>
      %dma_start3A_339 = arith.constant 0 : i32
      %dma_start3A_340 = arith.constant 0 : i32
      %dma_start3A_341 = tpu.memref_slice %arg5[%add3A_301, %dma_start3A_335, %add3A, %dma_start3A_339, %dma_start3A_340] : memref<200x8x32x8x128xf32, #tpu.memory_space<hbm>> -> memref<1x1x1x8x128xf32, #tpu.memory_space<hbm>>
      %dma_start3A_342 = tpu.memref_squeeze %dma_start3A_341 : memref<1x1x1x8x128xf32, #tpu.memory_space<hbm>> -> memref<8x128xf32, #tpu.memory_space<hbm>>
      %dma_start3A_343 = arith.constant 0 : i32
      %dma_start3A_344 = arith.constant 0 : i32
      %dma_start3A_345 = tpu.memref_slice %arg5[%add3A_301, %dma_start3A_335, %add3A, %dma_start3A_343, %dma_start3A_344] : memref<200x8x32x8x128xf32, #tpu.memory_space<hbm>> -> memref<1x1x1x8x128xf32, #tpu.memory_space<hbm>>
      %dma_start3A_346 = tpu.memref_squeeze %dma_start3A_345 : memref<1x1x1x8x128xf32, #tpu.memory_space<hbm>> -> memref<8x128xf32, #tpu.memory_space<hbm>>
      %dma_start3A_347 = arith.constant 0 : i32
      %dma_start3A_348 = arith.constant 0 : i32
      %dma_start3A_349 = tpu.memref_slice %arg10[%dma_start3A_347, %dma_start3A_348] : memref<64x129xf32, #tpu.memory_space<vmem>> -> memref<8x128xf32, #tpu.memory_space<vmem>>
      tpu.enqueue_dma source(%dma_start3A_349 : memref<8x128xf32, #tpu.memory_space<vmem>>) target(%dma_start3A_346 : memref<8x128xf32, #tpu.memory_space<hbm>>) target_semaphore(%arg14 : memref<!tpu.dma_semaphore, #tpu.memory_space<semaphore_mem>>)
      %dma_start3A_350 = arith.constant 1 : i32
      %dma_start3A_351 = arith.constant 8 : i32
      %dma_start3A_352 = arith.constant 0 : i32
      %dma_start3A_353 = tpu.memref_slice %arg10[%dma_start3A_351, %dma_start3A_352] : memref<64x129xf32, #tpu.memory_space<vmem>> -> memref<8x128xf32, #tpu.memory_space<vmem>>
      %dma_start3A_354 = arith.constant 0 : i32
      %dma_start3A_355 = arith.constant 0 : i32
      %dma_start3A_356 = tpu.memref_slice %arg5[%add3A_301, %dma_start3A_350, %add3A, %dma_start3A_354, %dma_start3A_355] : memref<200x8x32x8x128xf32, #tpu.memory_space<hbm>> -> memref<1x1x1x8x128xf32, #tpu.memory_space<hbm>>
      %dma_start3A_357 = tpu.memref_squeeze %dma_start3A_356 : memref<1x1x1x8x128xf32, #tpu.memory_space<hbm>> -> memref<8x128xf32, #tpu.memory_space<hbm>>
      %dma_start3A_358 = arith.constant 0 : i32
      %dma_start3A_359 = arith.constant 0 : i32
      %dma_start3A_360 = tpu.memref_slice %arg5[%add3A_301, %dma_start3A_350, %add3A, %dma_start3A_358, %dma_start3A_359] : memref<200x8x32x8x128xf32, #tpu.memory_space<hbm>> -> memref<1x1x1x8x128xf32, #tpu.memory_space<hbm>>
      %dma_start3A_361 = tpu.memref_squeeze %dma_start3A_360 : memref<1x1x1x8x128xf32, #tpu.memory_space<hbm>> -> memref<8x128xf32, #tpu.memory_space<hbm>>
      %dma_start3A_362 = arith.constant 8 : i32
      %dma_start3A_363 = arith.constant 0 : i32
      %dma_start3A_364 = tpu.memref_slice %arg10[%dma_start3A_362, %dma_start3A_363] : memref<64x129xf32, #tpu.memory_space<vmem>> -> memref<8x128xf32, #tpu.memory_space<vmem>>
      tpu.enqueue_dma source(%dma_start3A_364 : memref<8x128xf32, #tpu.memory_space<vmem>>) target(%dma_start3A_361 : memref<8x128xf32, #tpu.memory_space<hbm>>) target_semaphore(%arg14 : memref<!tpu.dma_semaphore, #tpu.memory_space<semaphore_mem>>)
      %dma_start3A_365 = arith.constant 2 : i32
      %dma_start3A_366 = arith.constant 16 : i32
      %dma_start3A_367 = arith.constant 0 : i32
      %dma_start3A_368 = tpu.memref_slice %arg10[%dma_start3A_366, %dma_start3A_367] : memref<64x129xf32, #tpu.memory_space<vmem>> -> memref<8x128xf32, #tpu.memory_space<vmem>>
      %dma_start3A_369 = arith.constant 0 : i32
      %dma_start3A_370 = arith.constant 0 : i32
      %dma_start3A_371 = tpu.memref_slice %arg5[%add3A_301, %dma_start3A_365, %add3A, %dma_start3A_369, %dma_start3A_370] : memref<200x8x32x8x128xf32, #tpu.memory_space<hbm>> -> memref<1x1x1x8x128xf32, #tpu.memory_space<hbm>>
      %dma_start3A_372 = tpu.memref_squeeze %dma_start3A_371 : memref<1x1x1x8x128xf32, #tpu.memory_space<hbm>> -> memref<8x128xf32, #tpu.memory_space<hbm>>
      %dma_start3A_373 = arith.constant 0 : i32
      %dma_start3A_374 = arith.constant 0 : i32
      %dma_start3A_375 = tpu.memref_slice %arg5[%add3A_301, %dma_start3A_365, %add3A, %dma_start3A_373, %dma_start3A_374] : memref<200x8x32x8x128xf32, #tpu.memory_space<hbm>> -> memref<1x1x1x8x128xf32, #tpu.memory_space<hbm>>
      %dma_start3A_376 = tpu.memref_squeeze %dma_start3A_375 : memref<1x1x1x8x128xf32, #tpu.memory_space<hbm>> -> memref<8x128xf32, #tpu.memory_space<hbm>>
      %dma_start3A_377 = arith.constant 16 : i32
      %dma_start3A_378 = arith.constant 0 : i32
      %dma_start3A_379 = tpu.memref_slice %arg10[%dma_start3A_377, %dma_start3A_378] : memref<64x129xf32, #tpu.memory_space<vmem>> -> memref<8x128xf32, #tpu.memory_space<vmem>>
      tpu.enqueue_dma source(%dma_start3A_379 : memref<8x128xf32, #tpu.memory_space<vmem>>) target(%dma_start3A_376 : memref<8x128xf32, #tpu.memory_space<hbm>>) target_semaphore(%arg14 : memref<!tpu.dma_semaphore, #tpu.memory_space<semaphore_mem>>)
      %dma_start3A_380 = arith.constant 3 : i32
      %dma_start3A_381 = arith.constant 24 : i32
      %dma_start3A_382 = arith.constant 0 : i32
      %dma_start3A_383 = tpu.memref_slice %arg10[%dma_start3A_381, %dma_start3A_382] : memref<64x129xf32, #tpu.memory_space<vmem>> -> memref<8x128xf32, #tpu.memory_space<vmem>>
      %dma_start3A_384 = arith.constant 0 : i32
      %dma_start3A_385 = arith.constant 0 : i32
      %dma_start3A_386 = tpu.memref_slice %arg5[%add3A_301, %dma_start3A_380, %add3A, %dma_start3A_384, %dma_start3A_385] : memref<200x8x32x8x128xf32, #tpu.memory_space<hbm>> -> memref<1x1x1x8x128xf32, #tpu.memory_space<hbm>>
      %dma_start3A_387 = tpu.memref_squeeze %dma_start3A_386 : memref<1x1x1x8x128xf32, #tpu.memory_space<hbm>> -> memref<8x128xf32, #tpu.memory_space<hbm>>
      %dma_start3A_388 = arith.constant 0 : i32
      %dma_start3A_389 = arith.constant 0 : i32
      %dma_start3A_390 = tpu.memref_slice %arg5[%add3A_301, %dma_start3A_380, %add3A, %dma_start3A_388, %dma_start3A_389] : memref<200x8x32x8x128xf32, #tpu.memory_space<hbm>> -> memref<1x1x1x8x128xf32, #tpu.memory_space<hbm>>
      %dma_start3A_391 = tpu.memref_squeeze %dma_start3A_390 : memref<1x1x1x8x128xf32, #tpu.memory_space<hbm>> -> memref<8x128xf32, #tpu.memory_space<hbm>>
      %dma_start3A_392 = arith.constant 24 : i32
      %dma_start3A_393 = arith.constant 0 : i32
      %dma_start3A_394 = tpu.memref_slice %arg10[%dma_start3A_392, %dma_start3A_393] : memref<64x129xf32, #tpu.memory_space<vmem>> -> memref<8x128xf32, #tpu.memory_space<vmem>>
      tpu.enqueue_dma source(%dma_start3A_394 : memref<8x128xf32, #tpu.memory_space<vmem>>) target(%dma_start3A_391 : memref<8x128xf32, #tpu.memory_space<hbm>>) target_semaphore(%arg14 : memref<!tpu.dma_semaphore, #tpu.memory_space<semaphore_mem>>)
      %dma_start3A_395 = arith.constant 4 : i32
      %dma_start3A_396 = arith.constant 32 : i32
      %dma_start3A_397 = arith.constant 0 : i32
      %dma_start3A_398 = tpu.memref_slice %arg10[%dma_start3A_396, %dma_start3A_397] : memref<64x129xf32, #tpu.memory_space<vmem>> -> memref<8x128xf32, #tpu.memory_space<vmem>>
      %dma_start3A_399 = arith.constant 0 : i32
      %dma_start3A_400 = arith.constant 0 : i32
      %dma_start3A_401 = tpu.memref_slice %arg5[%add3A_301, %dma_start3A_395, %add3A, %dma_start3A_399, %dma_start3A_400] : memref<200x8x32x8x128xf32, #tpu.memory_space<hbm>> -> memref<1x1x1x8x128xf32, #tpu.memory_space<hbm>>
      %dma_start3A_402 = tpu.memref_squeeze %dma_start3A_401 : memref<1x1x1x8x128xf32, #tpu.memory_space<hbm>> -> memref<8x128xf32, #tpu.memory_space<hbm>>
      %dma_start3A_403 = arith.constant 0 : i32
      %dma_start3A_404 = arith.constant 0 : i32
      %dma_start3A_405 = tpu.memref_slice %arg5[%add3A_301, %dma_start3A_395, %add3A, %dma_start3A_403, %dma_start3A_404] : memref<200x8x32x8x128xf32, #tpu.memory_space<hbm>> -> memref<1x1x1x8x128xf32, #tpu.memory_space<hbm>>
      %dma_start3A_406 = tpu.memref_squeeze %dma_start3A_405 : memref<1x1x1x8x128xf32, #tpu.memory_space<hbm>> -> memref<8x128xf32, #tpu.memory_space<hbm>>
      %dma_start3A_407 = arith.constant 32 : i32
      %dma_start3A_408 = arith.constant 0 : i32
      %dma_start3A_409 = tpu.memref_slice %arg10[%dma_start3A_407, %dma_start3A_408] : memref<64x129xf32, #tpu.memory_space<vmem>> -> memref<8x128xf32, #tpu.memory_space<vmem>>
      tpu.enqueue_dma source(%dma_start3A_409 : memref<8x128xf32, #tpu.memory_space<vmem>>) target(%dma_start3A_406 : memref<8x128xf32, #tpu.memory_space<hbm>>) target_semaphore(%arg14 : memref<!tpu.dma_semaphore, #tpu.memory_space<semaphore_mem>>)
      %dma_start3A_410 = arith.constant 5 : i32
      %dma_start3A_411 = arith.constant 40 : i32
      %dma_start3A_412 = arith.constant 0 : i32
      %dma_start3A_413 = tpu.memref_slice %arg10[%dma_start3A_411, %dma_start3A_412] : memref<64x129xf32, #tpu.memory_space<vmem>> -> memref<8x128xf32, #tpu.memory_space<vmem>>
      %dma_start3A_414 = arith.constant 0 : i32
      %dma_start3A_415 = arith.constant 0 : i32
      %dma_start3A_416 = tpu.memref_slice %arg5[%add3A_301, %dma_start3A_410, %add3A, %dma_start3A_414, %dma_start3A_415] : memref<200x8x32x8x128xf32, #tpu.memory_space<hbm>> -> memref<1x1x1x8x128xf32, #tpu.memory_space<hbm>>
      %dma_start3A_417 = tpu.memref_squeeze %dma_start3A_416 : memref<1x1x1x8x128xf32, #tpu.memory_space<hbm>> -> memref<8x128xf32, #tpu.memory_space<hbm>>
      %dma_start3A_418 = arith.constant 0 : i32
      %dma_start3A_419 = arith.constant 0 : i32
      %dma_start3A_420 = tpu.memref_slice %arg5[%add3A_301, %dma_start3A_410, %add3A, %dma_start3A_418, %dma_start3A_419] : memref<200x8x32x8x128xf32, #tpu.memory_space<hbm>> -> memref<1x1x1x8x128xf32, #tpu.memory_space<hbm>>
      %dma_start3A_421 = tpu.memref_squeeze %dma_start3A_420 : memref<1x1x1x8x128xf32, #tpu.memory_space<hbm>> -> memref<8x128xf32, #tpu.memory_space<hbm>>
      %dma_start3A_422 = arith.constant 40 : i32
      %dma_start3A_423 = arith.constant 0 : i32
      %dma_start3A_424 = tpu.memref_slice %arg10[%dma_start3A_422, %dma_start3A_423] : memref<64x129xf32, #tpu.memory_space<vmem>> -> memref<8x128xf32, #tpu.memory_space<vmem>>
      tpu.enqueue_dma source(%dma_start3A_424 : memref<8x128xf32, #tpu.memory_space<vmem>>) target(%dma_start3A_421 : memref<8x128xf32, #tpu.memory_space<hbm>>) target_semaphore(%arg14 : memref<!tpu.dma_semaphore, #tpu.memory_space<semaphore_mem>>)
      %dma_start3A_425 = arith.constant 6 : i32
      %dma_start3A_426 = arith.constant 48 : i32
      %dma_start3A_427 = arith.constant 0 : i32
      %dma_start3A_428 = tpu.memref_slice %arg10[%dma_start3A_426, %dma_start3A_427] : memref<64x129xf32, #tpu.memory_space<vmem>> -> memref<8x128xf32, #tpu.memory_space<vmem>>
      %dma_start3A_429 = arith.constant 0 : i32
      %dma_start3A_430 = arith.constant 0 : i32
      %dma_start3A_431 = tpu.memref_slice %arg5[%add3A_301, %dma_start3A_425, %add3A, %dma_start3A_429, %dma_start3A_430] : memref<200x8x32x8x128xf32, #tpu.memory_space<hbm>> -> memref<1x1x1x8x128xf32, #tpu.memory_space<hbm>>
      %dma_start3A_432 = tpu.memref_squeeze %dma_start3A_431 : memref<1x1x1x8x128xf32, #tpu.memory_space<hbm>> -> memref<8x128xf32, #tpu.memory_space<hbm>>
      %dma_start3A_433 = arith.constant 0 : i32
      %dma_start3A_434 = arith.constant 0 : i32
      %dma_start3A_435 = tpu.memref_slice %arg5[%add3A_301, %dma_start3A_425, %add3A, %dma_start3A_433, %dma_start3A_434] : memref<200x8x32x8x128xf32, #tpu.memory_space<hbm>> -> memref<1x1x1x8x128xf32, #tpu.memory_space<hbm>>
      %dma_start3A_436 = tpu.memref_squeeze %dma_start3A_435 : memref<1x1x1x8x128xf32, #tpu.memory_space<hbm>> -> memref<8x128xf32, #tpu.memory_space<hbm>>
      %dma_start3A_437 = arith.constant 48 : i32
      %dma_start3A_438 = arith.constant 0 : i32
      %dma_start3A_439 = tpu.memref_slice %arg10[%dma_start3A_437, %dma_start3A_438] : memref<64x129xf32, #tpu.memory_space<vmem>> -> memref<8x128xf32, #tpu.memory_space<vmem>>
      tpu.enqueue_dma source(%dma_start3A_439 : memref<8x128xf32, #tpu.memory_space<vmem>>) target(%dma_start3A_436 : memref<8x128xf32, #tpu.memory_space<hbm>>) target_semaphore(%arg14 : memref<!tpu.dma_semaphore, #tpu.memory_space<semaphore_mem>>)
      %dma_start3A_440 = arith.constant 7 : i32
      %dma_start3A_441 = arith.constant 56 : i32
      %dma_start3A_442 = arith.constant 0 : i32
      %dma_start3A_443 = tpu.memref_slice %arg10[%dma_start3A_441, %dma_start3A_442] : memref<64x129xf32, #tpu.memory_space<vmem>> -> memref<8x128xf32, #tpu.memory_space<vmem>>
      %dma_start3A_444 = arith.constant 0 : i32
      %dma_start3A_445 = arith.constant 0 : i32
      %dma_start3A_446 = tpu.memref_slice %arg5[%add3A_301, %dma_start3A_440, %add3A, %dma_start3A_444, %dma_start3A_445] : memref<200x8x32x8x128xf32, #tpu.memory_space<hbm>> -> memref<1x1x1x8x128xf32, #tpu.memory_space<hbm>>
      %dma_start3A_447 = tpu.memref_squeeze %dma_start3A_446 : memref<1x1x1x8x128xf32, #tpu.memory_space<hbm>> -> memref<8x128xf32, #tpu.memory_space<hbm>>
      %dma_start3A_448 = arith.constant 0 : i32
      %dma_start3A_449 = arith.constant 0 : i32
      %dma_start3A_450 = tpu.memref_slice %arg5[%add3A_301, %dma_start3A_440, %add3A, %dma_start3A_448, %dma_start3A_449] : memref<200x8x32x8x128xf32, #tpu.memory_space<hbm>> -> memref<1x1x1x8x128xf32, #tpu.memory_space<hbm>>
      %dma_start3A_451 = tpu.memref_squeeze %dma_start3A_450 : memref<1x1x1x8x128xf32, #tpu.memory_space<hbm>> -> memref<8x128xf32, #tpu.memory_space<hbm>>
      %dma_start3A_452 = arith.constant 56 : i32
      %dma_start3A_453 = arith.constant 0 : i32
      %dma_start3A_454 = tpu.memref_slice %arg10[%dma_start3A_452, %dma_start3A_453] : memref<64x129xf32, #tpu.memory_space<vmem>> -> memref<8x128xf32, #tpu.memory_space<vmem>>
      tpu.enqueue_dma source(%dma_start3A_454 : memref<8x128xf32, #tpu.memory_space<vmem>>) target(%dma_start3A_451 : memref<8x128xf32, #tpu.memory_space<hbm>>) target_semaphore(%arg14 : memref<!tpu.dma_semaphore, #tpu.memory_space<semaphore_mem>>)
      %mul3A_455 = arith.constant 2 : i32
      %mul3A_456 = arith.muli %scan3A_296, %mul3A_455 : i32
      %add3A_457 = arith.constant 1 : i32
      %add3A_458 = arith.addi %mul3A_456, %add3A_457 : i32
      %add3A_459 = arith.constant 1 : i32
      %add3A_460 = arith.addi %add3A_458, %add3A_459 : i32
      %lt3A_461 = arith.constant 200 : i32
      %lt3A_462 = arith.cmpi slt, %add3A_460, %lt3A_461 : i32
      %convert_element_type3A_463 = arith.extui %lt3A_462 : i1 to i32
      %cond3A_464 = arith.constant 0 : i32
      %cond3A_465 = arith.cmpi ne, %convert_element_type3A_463, %cond3A_464 : i32
      scf.if %cond3A_465 {
        %add3A_618 = arith.constant 1 : i32
        %add3A_619 = arith.addi %add3A_458, %add3A_618 : i32
        %dma_start3A_620 = arith.constant 0 : i32
        %dma_start3A_621 = tpu.memref_slice %arg6[%add3A_619, %dma_start3A_620] : memref<200x128xi32, #tpu.memory_space<vmem>> -> memref<1x128xi32, #tpu.memory_space<vmem>>
        %dma_start3A_622 = tpu.memref_squeeze %dma_start3A_621 : memref<1x128xi32, #tpu.memory_space<vmem>> -> memref<128xi32, #tpu.memory_space<vmem>>
        %dma_start3A_623 = arith.constant 0 : i32
        %dma_start3A_624 = arith.constant 0 : i32
        %dma_start3A_625 = tpu.memref_slice %arg3[%dma_start3A_623, %dma_start3A_624] : memref<100000x64xf32, #tpu.memory_space<hbm>> -> memref<100000x64xf32, #tpu.memory_space<hbm>>
        tpu.enqueue_indirect_dma source(%dma_start3A_625 : memref<100000x64xf32, #tpu.memory_space<hbm>>) target(%arg8 : memref<128x64xf32, #tpu.memory_space<vmem>>) offsets(%dma_start3A_622 : memref<128xi32, #tpu.memory_space<vmem>>) semaphore(%arg12 : memref<!tpu.dma_semaphore, #tpu.memory_space<semaphore_mem>>)
      } else {
      }
      %dma_wait3A_466 = arith.constant 0 : i32
      %dma_wait3A_467 = arith.constant 0 : i32
      %dma_wait3A_468 = tpu.memref_slice %arg6[%dma_wait3A_466, %dma_wait3A_467] : memref<200x128xi32, #tpu.memory_space<vmem>> -> memref<1x128xi32, #tpu.memory_space<vmem>>
      %dma_wait3A_469 = tpu.memref_squeeze %dma_wait3A_468 : memref<1x128xi32, #tpu.memory_space<vmem>> -> memref<128xi32, #tpu.memory_space<vmem>>
      %dma_wait3A_470 = arith.constant 0 : i32
      %dma_wait3A_471 = arith.constant 0 : i32
      %dma_wait3A_472 = tpu.memref_slice %arg3[%dma_wait3A_470, %dma_wait3A_471] : memref<100000x64xf32, #tpu.memory_space<hbm>> -> memref<100000x64xf32, #tpu.memory_space<hbm>>
      tpu.wait_indirect_dma semaphore(%arg13 : memref<!tpu.dma_semaphore, #tpu.memory_space<semaphore_mem>>) src(%dma_wait3A_472 : memref<100000x64xf32, #tpu.memory_space<hbm>>) dst(%arg9 : memref<128x64xf32, #tpu.memory_space<vmem>>)
      %ge3A_473 = arith.constant 2 : i32
      %ge3A_474 = arith.cmpi sge, %add3A_458, %ge3A_473 : i32
      %convert_element_type3A_475 = arith.extui %ge3A_474 : i1 to i32
      %cond3A_476 = arith.constant 0 : i32
      %cond3A_477 = arith.cmpi ne, %convert_element_type3A_475, %cond3A_476 : i32
      scf.if %cond3A_477 {
        %dma_wait3A_618 = arith.constant 0 : i32
        %dma_wait3A_619 = arith.constant 0 : i32
        %dma_wait3A_620 = arith.constant 0 : i32
        %dma_wait3A_621 = arith.constant 0 : i32
        %dma_wait3A_622 = arith.constant 0 : i32
        %dma_wait3A_623 = tpu.memref_slice %arg11[%dma_wait3A_621, %dma_wait3A_622] : memref<64x129xf32, #tpu.memory_space<vmem>> -> memref<8x128xf32, #tpu.memory_space<vmem>>
        %dma_wait3A_624 = arith.constant 0 : i32
        %dma_wait3A_625 = arith.constant 0 : i32
        %dma_wait3A_626 = tpu.memref_slice %arg5[%dma_wait3A_618, %dma_wait3A_619, %dma_wait3A_620, %dma_wait3A_624, %dma_wait3A_625] : memref<200x8x32x8x128xf32, #tpu.memory_space<hbm>> -> memref<1x1x1x8x128xf32, #tpu.memory_space<hbm>>
        %dma_wait3A_627 = tpu.memref_squeeze %dma_wait3A_626 : memref<1x1x1x8x128xf32, #tpu.memory_space<hbm>> -> memref<8x128xf32, #tpu.memory_space<hbm>>
        %dma_wait3A_628 = arith.constant 0 : i32
        %dma_wait3A_629 = arith.constant 0 : i32
        %dma_wait3A_630 = tpu.memref_slice %arg5[%dma_wait3A_618, %dma_wait3A_619, %dma_wait3A_620, %dma_wait3A_628, %dma_wait3A_629] : memref<200x8x32x8x128xf32, #tpu.memory_space<hbm>> -> memref<1x1x1x8x128xf32, #tpu.memory_space<hbm>>
        %dma_wait3A_631 = tpu.memref_squeeze %dma_wait3A_630 : memref<1x1x1x8x128xf32, #tpu.memory_space<hbm>> -> memref<8x128xf32, #tpu.memory_space<hbm>>
        %dma_wait3A_632 = arith.constant 0 : i32
        %dma_wait3A_633 = arith.constant 0 : i32
        %dma_wait3A_634 = tpu.memref_slice %arg11[%dma_wait3A_632, %dma_wait3A_633] : memref<64x129xf32, #tpu.memory_space<vmem>> -> memref<8x128xf32, #tpu.memory_space<vmem>>
        tpu.wait_dma2 semaphore(%arg15 : memref<!tpu.dma_semaphore, #tpu.memory_space<semaphore_mem>>) src(%dma_wait3A_634 : memref<8x128xf32, #tpu.memory_space<vmem>>) dst(%dma_wait3A_631 : memref<8x128xf32, #tpu.memory_space<hbm>>)
        %dma_wait3A_635 = arith.constant 0 : i32
        %dma_wait3A_636 = arith.constant 0 : i32
        %dma_wait3A_637 = arith.constant 0 : i32
        %dma_wait3A_638 = arith.constant 8 : i32
        %dma_wait3A_639 = arith.constant 0 : i32
        %dma_wait3A_640 = tpu.memref_slice %arg11[%dma_wait3A_638, %dma_wait3A_639] : memref<64x129xf32, #tpu.memory_space<vmem>> -> memref<8x128xf32, #tpu.memory_space<vmem>>
        %dma_wait3A_641 = arith.constant 0 : i32
        %dma_wait3A_642 = arith.constant 0 : i32
        %dma_wait3A_643 = tpu.memref_slice %arg5[%dma_wait3A_635, %dma_wait3A_636, %dma_wait3A_637, %dma_wait3A_641, %dma_wait3A_642] : memref<200x8x32x8x128xf32, #tpu.memory_space<hbm>> -> memref<1x1x1x8x128xf32, #tpu.memory_space<hbm>>
        %dma_wait3A_644 = tpu.memref_squeeze %dma_wait3A_643 : memref<1x1x1x8x128xf32, #tpu.memory_space<hbm>> -> memref<8x128xf32, #tpu.memory_space<hbm>>
        %dma_wait3A_645 = arith.constant 0 : i32
        %dma_wait3A_646 = arith.constant 0 : i32
        %dma_wait3A_647 = tpu.memref_slice %arg5[%dma_wait3A_635, %dma_wait3A_636, %dma_wait3A_637, %dma_wait3A_645, %dma_wait3A_646] : memref<200x8x32x8x128xf32, #tpu.memory_space<hbm>> -> memref<1x1x1x8x128xf32, #tpu.memory_space<hbm>>
        %dma_wait3A_648 = tpu.memref_squeeze %dma_wait3A_647 : memref<1x1x1x8x128xf32, #tpu.memory_space<hbm>> -> memref<8x128xf32, #tpu.memory_space<hbm>>
        %dma_wait3A_649 = arith.constant 8 : i32
        %dma_wait3A_650 = arith.constant 0 : i32
        %dma_wait3A_651 = tpu.memref_slice %arg11[%dma_wait3A_649, %dma_wait3A_650] : memref<64x129xf32, #tpu.memory_space<vmem>> -> memref<8x128xf32, #tpu.memory_space<vmem>>
        tpu.wait_dma2 semaphore(%arg15 : memref<!tpu.dma_semaphore, #tpu.memory_space<semaphore_mem>>) src(%dma_wait3A_651 : memref<8x128xf32, #tpu.memory_space<vmem>>) dst(%dma_wait3A_648 : memref<8x128xf32, #tpu.memory_space<hbm>>)
        %dma_wait3A_652 = arith.constant 0 : i32
        %dma_wait3A_653 = arith.constant 0 : i32
        %dma_wait3A_654 = arith.constant 0 : i32
        %dma_wait3A_655 = arith.constant 16 : i32
        %dma_wait3A_656 = arith.constant 0 : i32
        %dma_wait3A_657 = tpu.memref_slice %arg11[%dma_wait3A_655, %dma_wait3A_656] : memref<64x129xf32, #tpu.memory_space<vmem>> -> memref<8x128xf32, #tpu.memory_space<vmem>>
        %dma_wait3A_658 = arith.constant 0 : i32
        %dma_wait3A_659 = arith.constant 0 : i32
        %dma_wait3A_660 = tpu.memref_slice %arg5[%dma_wait3A_652, %dma_wait3A_653, %dma_wait3A_654, %dma_wait3A_658, %dma_wait3A_659] : memref<200x8x32x8x128xf32, #tpu.memory_space<hbm>> -> memref<1x1x1x8x128xf32, #tpu.memory_space<hbm>>
        %dma_wait3A_661 = tpu.memref_squeeze %dma_wait3A_660 : memref<1x1x1x8x128xf32, #tpu.memory_space<hbm>> -> memref<8x128xf32, #tpu.memory_space<hbm>>
        %dma_wait3A_662 = arith.constant 0 : i32
        %dma_wait3A_663 = arith.constant 0 : i32
        %dma_wait3A_664 = tpu.memref_slice %arg5[%dma_wait3A_652, %dma_wait3A_653, %dma_wait3A_654, %dma_wait3A_662, %dma_wait3A_663] : memref<200x8x32x8x128xf32, #tpu.memory_space<hbm>> -> memref<1x1x1x8x128xf32, #tpu.memory_space<hbm>>
        %dma_wait3A_665 = tpu.memref_squeeze %dma_wait3A_664 : memref<1x1x1x8x128xf32, #tpu.memory_space<hbm>> -> memref<8x128xf32, #tpu.memory_space<hbm>>
        %dma_wait3A_666 = arith.constant 16 : i32
        %dma_wait3A_667 = arith.constant 0 : i32
        %dma_wait3A_668 = tpu.memref_slice %arg11[%dma_wait3A_666, %dma_wait3A_667] : memref<64x129xf32, #tpu.memory_space<vmem>> -> memref<8x128xf32, #tpu.memory_space<vmem>>
        tpu.wait_dma2 semaphore(%arg15 : memref<!tpu.dma_semaphore, #tpu.memory_space<semaphore_mem>>) src(%dma_wait3A_668 : memref<8x128xf32, #tpu.memory_space<vmem>>) dst(%dma_wait3A_665 : memref<8x128xf32, #tpu.memory_space<hbm>>)
        %dma_wait3A_669 = arith.constant 0 : i32
        %dma_wait3A_670 = arith.constant 0 : i32
        %dma_wait3A_671 = arith.constant 0 : i32
        %dma_wait3A_672 = arith.constant 24 : i32
        %dma_wait3A_673 = arith.constant 0 : i32
        %dma_wait3A_674 = tpu.memref_slice %arg11[%dma_wait3A_672, %dma_wait3A_673] : memref<64x129xf32, #tpu.memory_space<vmem>> -> memref<8x128xf32, #tpu.memory_space<vmem>>
        %dma_wait3A_675 = arith.constant 0 : i32
        %dma_wait3A_676 = arith.constant 0 : i32
        %dma_wait3A_677 = tpu.memref_slice %arg5[%dma_wait3A_669, %dma_wait3A_670, %dma_wait3A_671, %dma_wait3A_675, %dma_wait3A_676] : memref<200x8x32x8x128xf32, #tpu.memory_space<hbm>> -> memref<1x1x1x8x128xf32, #tpu.memory_space<hbm>>
        %dma_wait3A_678 = tpu.memref_squeeze %dma_wait3A_677 : memref<1x1x1x8x128xf32, #tpu.memory_space<hbm>> -> memref<8x128xf32, #tpu.memory_space<hbm>>
        %dma_wait3A_679 = arith.constant 0 : i32
        %dma_wait3A_680 = arith.constant 0 : i32
        %dma_wait3A_681 = tpu.memref_slice %arg5[%dma_wait3A_669, %dma_wait3A_670, %dma_wait3A_671, %dma_wait3A_679, %dma_wait3A_680] : memref<200x8x32x8x128xf32, #tpu.memory_space<hbm>> -> memref<1x1x1x8x128xf32, #tpu.memory_space<hbm>>
        %dma_wait3A_682 = tpu.memref_squeeze %dma_wait3A_681 : memref<1x1x1x8x128xf32, #tpu.memory_space<hbm>> -> memref<8x128xf32, #tpu.memory_space<hbm>>
        %dma_wait3A_683 = arith.constant 24 : i32
        %dma_wait3A_684 = arith.constant 0 : i32
        %dma_wait3A_685 = tpu.memref_slice %arg11[%dma_wait3A_683, %dma_wait3A_684] : memref<64x129xf32, #tpu.memory_space<vmem>> -> memref<8x128xf32, #tpu.memory_space<vmem>>
        tpu.wait_dma2 semaphore(%arg15 : memref<!tpu.dma_semaphore, #tpu.memory_space<semaphore_mem>>) src(%dma_wait3A_685 : memref<8x128xf32, #tpu.memory_space<vmem>>) dst(%dma_wait3A_682 : memref<8x128xf32, #tpu.memory_space<hbm>>)
        %dma_wait3A_686 = arith.constant 0 : i32
        %dma_wait3A_687 = arith.constant 0 : i32
        %dma_wait3A_688 = arith.constant 0 : i32
        %dma_wait3A_689 = arith.constant 32 : i32
        %dma_wait3A_690 = arith.constant 0 : i32
        %dma_wait3A_691 = tpu.memref_slice %arg11[%dma_wait3A_689, %dma_wait3A_690] : memref<64x129xf32, #tpu.memory_space<vmem>> -> memref<8x128xf32, #tpu.memory_space<vmem>>
        %dma_wait3A_692 = arith.constant 0 : i32
        %dma_wait3A_693 = arith.constant 0 : i32
        %dma_wait3A_694 = tpu.memref_slice %arg5[%dma_wait3A_686, %dma_wait3A_687, %dma_wait3A_688, %dma_wait3A_692, %dma_wait3A_693] : memref<200x8x32x8x128xf32, #tpu.memory_space<hbm>> -> memref<1x1x1x8x128xf32, #tpu.memory_space<hbm>>
        %dma_wait3A_695 = tpu.memref_squeeze %dma_wait3A_694 : memref<1x1x1x8x128xf32, #tpu.memory_space<hbm>> -> memref<8x128xf32, #tpu.memory_space<hbm>>
        %dma_wait3A_696 = arith.constant 0 : i32
        %dma_wait3A_697 = arith.constant 0 : i32
        %dma_wait3A_698 = tpu.memref_slice %arg5[%dma_wait3A_686, %dma_wait3A_687, %dma_wait3A_688, %dma_wait3A_696, %dma_wait3A_697] : memref<200x8x32x8x128xf32, #tpu.memory_space<hbm>> -> memref<1x1x1x8x128xf32, #tpu.memory_space<hbm>>
        %dma_wait3A_699 = tpu.memref_squeeze %dma_wait3A_698 : memref<1x1x1x8x128xf32, #tpu.memory_space<hbm>> -> memref<8x128xf32, #tpu.memory_space<hbm>>
        %dma_wait3A_700 = arith.constant 32 : i32
        %dma_wait3A_701 = arith.constant 0 : i32
        %dma_wait3A_702 = tpu.memref_slice %arg11[%dma_wait3A_700, %dma_wait3A_701] : memref<64x129xf32, #tpu.memory_space<vmem>> -> memref<8x128xf32, #tpu.memory_space<vmem>>
        tpu.wait_dma2 semaphore(%arg15 : memref<!tpu.dma_semaphore, #tpu.memory_space<semaphore_mem>>) src(%dma_wait3A_702 : memref<8x128xf32, #tpu.memory_space<vmem>>) dst(%dma_wait3A_699 : memref<8x128xf32, #tpu.memory_space<hbm>>)
        %dma_wait3A_703 = arith.constant 0 : i32
        %dma_wait3A_704 = arith.constant 0 : i32
        %dma_wait3A_705 = arith.constant 0 : i32
        %dma_wait3A_706 = arith.constant 40 : i32
        %dma_wait3A_707 = arith.constant 0 : i32
        %dma_wait3A_708 = tpu.memref_slice %arg11[%dma_wait3A_706, %dma_wait3A_707] : memref<64x129xf32, #tpu.memory_space<vmem>> -> memref<8x128xf32, #tpu.memory_space<vmem>>
        %dma_wait3A_709 = arith.constant 0 : i32
        %dma_wait3A_710 = arith.constant 0 : i32
        %dma_wait3A_711 = tpu.memref_slice %arg5[%dma_wait3A_703, %dma_wait3A_704, %dma_wait3A_705, %dma_wait3A_709, %dma_wait3A_710] : memref<200x8x32x8x128xf32, #tpu.memory_space<hbm>> -> memref<1x1x1x8x128xf32, #tpu.memory_space<hbm>>
        %dma_wait3A_712 = tpu.memref_squeeze %dma_wait3A_711 : memref<1x1x1x8x128xf32, #tpu.memory_space<hbm>> -> memref<8x128xf32, #tpu.memory_space<hbm>>
        %dma_wait3A_713 = arith.constant 0 : i32
        %dma_wait3A_714 = arith.constant 0 : i32
        %dma_wait3A_715 = tpu.memref_slice %arg5[%dma_wait3A_703, %dma_wait3A_704, %dma_wait3A_705, %dma_wait3A_713, %dma_wait3A_714] : memref<200x8x32x8x128xf32, #tpu.memory_space<hbm>> -> memref<1x1x1x8x128xf32, #tpu.memory_space<hbm>>
        %dma_wait3A_716 = tpu.memref_squeeze %dma_wait3A_715 : memref<1x1x1x8x128xf32, #tpu.memory_space<hbm>> -> memref<8x128xf32, #tpu.memory_space<hbm>>
        %dma_wait3A_717 = arith.constant 40 : i32
        %dma_wait3A_718 = arith.constant 0 : i32
        %dma_wait3A_719 = tpu.memref_slice %arg11[%dma_wait3A_717, %dma_wait3A_718] : memref<64x129xf32, #tpu.memory_space<vmem>> -> memref<8x128xf32, #tpu.memory_space<vmem>>
        tpu.wait_dma2 semaphore(%arg15 : memref<!tpu.dma_semaphore, #tpu.memory_space<semaphore_mem>>) src(%dma_wait3A_719 : memref<8x128xf32, #tpu.memory_space<vmem>>) dst(%dma_wait3A_716 : memref<8x128xf32, #tpu.memory_space<hbm>>)
        %dma_wait3A_720 = arith.constant 0 : i32
        %dma_wait3A_721 = arith.constant 0 : i32
        %dma_wait3A_722 = arith.constant 0 : i32
        %dma_wait3A_723 = arith.constant 48 : i32
        %dma_wait3A_724 = arith.constant 0 : i32
        %dma_wait3A_725 = tpu.memref_slice %arg11[%dma_wait3A_723, %dma_wait3A_724] : memref<64x129xf32, #tpu.memory_space<vmem>> -> memref<8x128xf32, #tpu.memory_space<vmem>>
        %dma_wait3A_726 = arith.constant 0 : i32
        %dma_wait3A_727 = arith.constant 0 : i32
        %dma_wait3A_728 = tpu.memref_slice %arg5[%dma_wait3A_720, %dma_wait3A_721, %dma_wait3A_722, %dma_wait3A_726, %dma_wait3A_727] : memref<200x8x32x8x128xf32, #tpu.memory_space<hbm>> -> memref<1x1x1x8x128xf32, #tpu.memory_space<hbm>>
        %dma_wait3A_729 = tpu.memref_squeeze %dma_wait3A_728 : memref<1x1x1x8x128xf32, #tpu.memory_space<hbm>> -> memref<8x128xf32, #tpu.memory_space<hbm>>
        %dma_wait3A_730 = arith.constant 0 : i32
        %dma_wait3A_731 = arith.constant 0 : i32
        %dma_wait3A_732 = tpu.memref_slice %arg5[%dma_wait3A_720, %dma_wait3A_721, %dma_wait3A_722, %dma_wait3A_730, %dma_wait3A_731] : memref<200x8x32x8x128xf32, #tpu.memory_space<hbm>> -> memref<1x1x1x8x128xf32, #tpu.memory_space<hbm>>
        %dma_wait3A_733 = tpu.memref_squeeze %dma_wait3A_732 : memref<1x1x1x8x128xf32, #tpu.memory_space<hbm>> -> memref<8x128xf32, #tpu.memory_space<hbm>>
        %dma_wait3A_734 = arith.constant 48 : i32
        %dma_wait3A_735 = arith.constant 0 : i32
        %dma_wait3A_736 = tpu.memref_slice %arg11[%dma_wait3A_734, %dma_wait3A_735] : memref<64x129xf32, #tpu.memory_space<vmem>> -> memref<8x128xf32, #tpu.memory_space<vmem>>
        tpu.wait_dma2 semaphore(%arg15 : memref<!tpu.dma_semaphore, #tpu.memory_space<semaphore_mem>>) src(%dma_wait3A_736 : memref<8x128xf32, #tpu.memory_space<vmem>>) dst(%dma_wait3A_733 : memref<8x128xf32, #tpu.memory_space<hbm>>)
        %dma_wait3A_737 = arith.constant 0 : i32
        %dma_wait3A_738 = arith.constant 0 : i32
        %dma_wait3A_739 = arith.constant 0 : i32
        %dma_wait3A_740 = arith.constant 56 : i32
        %dma_wait3A_741 = arith.constant 0 : i32
        %dma_wait3A_742 = tpu.memref_slice %arg11[%dma_wait3A_740, %dma_wait3A_741] : memref<64x129xf32, #tpu.memory_space<vmem>> -> memref<8x128xf32, #tpu.memory_space<vmem>>
        %dma_wait3A_743 = arith.constant 0 : i32
        %dma_wait3A_744 = arith.constant 0 : i32
        %dma_wait3A_745 = tpu.memref_slice %arg5[%dma_wait3A_737, %dma_wait3A_738, %dma_wait3A_739, %dma_wait3A_743, %dma_wait3A_744] : memref<200x8x32x8x128xf32, #tpu.memory_space<hbm>> -> memref<1x1x1x8x128xf32, #tpu.memory_space<hbm>>
        %dma_wait3A_746 = tpu.memref_squeeze %dma_wait3A_745 : memref<1x1x1x8x128xf32, #tpu.memory_space<hbm>> -> memref<8x128xf32, #tpu.memory_space<hbm>>
        %dma_wait3A_747 = arith.constant 0 : i32
        %dma_wait3A_748 = arith.constant 0 : i32
        %dma_wait3A_749 = tpu.memref_slice %arg5[%dma_wait3A_737, %dma_wait3A_738, %dma_wait3A_739, %dma_wait3A_747, %dma_wait3A_748] : memref<200x8x32x8x128xf32, #tpu.memory_space<hbm>> -> memref<1x1x1x8x128xf32, #tpu.memory_space<hbm>>
        %dma_wait3A_750 = tpu.memref_squeeze %dma_wait3A_749 : memref<1x1x1x8x128xf32, #tpu.memory_space<hbm>> -> memref<8x128xf32, #tpu.memory_space<hbm>>
        %dma_wait3A_751 = arith.constant 56 : i32
        %dma_wait3A_752 = arith.constant 0 : i32
        %dma_wait3A_753 = tpu.memref_slice %arg11[%dma_wait3A_751, %dma_wait3A_752] : memref<64x129xf32, #tpu.memory_space<vmem>> -> memref<8x128xf32, #tpu.memory_space<vmem>>
        tpu.wait_dma2 semaphore(%arg15 : memref<!tpu.dma_semaphore, #tpu.memory_space<semaphore_mem>>) src(%dma_wait3A_753 : memref<8x128xf32, #tpu.memory_space<vmem>>) dst(%dma_wait3A_750 : memref<8x128xf32, #tpu.memory_space<hbm>>)
      } else {
      }
      %get3A_478 = arith.index_cast %add3A_458 : i32 to index
      %get3A_479 = arith.constant 0 : index
      %get3A_480 = tpu.vector_load %arg7[%get3A_478, %get3A_479] {strides = array<i32>} : memref<200x64xf32, #tpu.memory_space<vmem>>, vector<16xf32>,
      %get3A_481 = arith.index_cast %add3A_458 : i32 to index
      %get3A_482 = arith.constant 16 : index
      %get3A_483 = tpu.vector_load %arg7[%get3A_481, %get3A_482] {strides = array<i32>} : memref<200x64xf32, #tpu.memory_space<vmem>>, vector<16xf32>,
      %get3A_484 = arith.index_cast %add3A_458 : i32 to index
      %get3A_485 = arith.constant 32 : index
      %get3A_486 = tpu.vector_load %arg7[%get3A_484, %get3A_485] {strides = array<i32>} : memref<200x64xf32, #tpu.memory_space<vmem>>, vector<16xf32>,
      %get3A_487 = arith.index_cast %add3A_458 : i32 to index
      %get3A_488 = arith.constant 48 : index
      %get3A_489 = tpu.vector_load %arg7[%get3A_487, %get3A_488] {strides = array<i32>} : memref<200x64xf32, #tpu.memory_space<vmem>>, vector<16xf32>,
      %scan3A_490 = arith.constant 0 : i32
      %scan3A_491 = arith.constant 0 : i32
      %scan3A_492 = arith.constant 128 : i32
      %scan3A_493 = arith.addi %scan3A_491, %scan3A_492 : i32
      %scan3A_494 = arith.constant 4 : i32
      %scan3A_495 = scf.for %scan3A_618 = %scan3A_491 to %scan3A_493 step %scan3A_494 iter_args(%scan3A_619 = %scan3A_490) -> (i32)  : i32 {
        %broadcast_in_dim3A = vector.broadcast %scan3A_618 : i32 to vector<16xi32>
        %get3A_620 = arith.index_cast %scan3A_618 : i32 to index
        %get3A_621 = arith.constant 0 : index
        %get3A_622 = tpu.vector_load %arg9[%get3A_620, %get3A_621] {strides = array<i32>} : memref<128x64xf32, #tpu.memory_space<vmem>>, vector<16xf32>,
        %add3A_623 = arith.addf %get3A_622, %get3A_480 : vector<16xf32>
        tpu.vector_store_idx %arg11[%add3A_3, %broadcast_in_dim3A], %add3A_623 : memref<64x129xf32, #tpu.memory_space<vmem>>[vector<16xi32>, vector<16xi32>], vector<16xf32>,
        %get3A_624 = arith.index_cast %scan3A_618 : i32 to index
        %get3A_625 = arith.constant 16 : index
        %get3A_626 = tpu.vector_load %arg9[%get3A_624, %get3A_625] {strides = array<i32>} : memref<128x64xf32, #tpu.memory_space<vmem>>, vector<16xf32>,
        %add3A_627 = arith.addf %get3A_626, %get3A_483 : vector<16xf32>
        tpu.vector_store_idx %arg11[%add3A_6, %broadcast_in_dim3A], %add3A_627 : memref<64x129xf32, #tpu.memory_space<vmem>>[vector<16xi32>, vector<16xi32>], vector<16xf32>,
        %get3A_628 = arith.index_cast %scan3A_618 : i32 to index
        %get3A_629 = arith.constant 32 : index
        %get3A_630 = tpu.vector_load %arg9[%get3A_628, %get3A_629] {strides = array<i32>} : memref<128x64xf32, #tpu.memory_space<vmem>>, vector<16xf32>,
        %add3A_631 = arith.addf %get3A_630, %get3A_486 : vector<16xf32>
        tpu.vector_store_idx %arg11[%add3A_9, %broadcast_in_dim3A], %add3A_631 : memref<64x129xf32, #tpu.memory_space<vmem>>[vector<16xi32>, vector<16xi32>], vector<16xf32>,
        %get3A_632 = arith.index_cast %scan3A_618 : i32 to index
        %get3A_633 = arith.constant 48 : index
        %get3A_634 = tpu.vector_load %arg9[%get3A_632, %get3A_633] {strides = array<i32>} : memref<128x64xf32, #tpu.memory_space<vmem>>, vector<16xf32>,
        %add3A_635 = arith.addf %get3A_634, %get3A_489 : vector<16xf32>
        tpu.vector_store_idx %arg11[%add3A_12, %broadcast_in_dim3A], %add3A_635 : memref<64x129xf32, #tpu.memory_space<vmem>>[vector<16xi32>, vector<16xi32>], vector<16xf32>,
        %scan3A_636 = arith.constant 0 : i32
        %scan3A_637 = arith.constant 1 : i32
        %scan3A_638 = arith.addi %scan3A_618, %scan3A_637 : i32
        %broadcast_in_dim3A_639 = vector.broadcast %scan3A_638 : i32 to vector<16xi32>
        %get3A_640 = arith.index_cast %scan3A_638 : i32 to index
        %get3A_641 = arith.constant 0 : index
        %get3A_642 = tpu.vector_load %arg9[%get3A_640, %get3A_641] {strides = array<i32>} : memref<128x64xf32, #tpu.memory_space<vmem>>, vector<16xf32>,
        %add3A_643 = arith.addf %get3A_642, %get3A_480 : vector<16xf32>
        tpu.vector_store_idx %arg11[%add3A_3, %broadcast_in_dim3A_639], %add3A_643 : memref<64x129xf32, #tpu.memory_space<vmem>>[vector<16xi32>, vector<16xi32>], vector<16xf32>,
        %get3A_644 = arith.index_cast %scan3A_638 : i32 to index
        %get3A_645 = arith.constant 16 : index
        %get3A_646 = tpu.vector_load %arg9[%get3A_644, %get3A_645] {strides = array<i32>} : memref<128x64xf32, #tpu.memory_space<vmem>>, vector<16xf32>,
        %add3A_647 = arith.addf %get3A_646, %get3A_483 : vector<16xf32>
        tpu.vector_store_idx %arg11[%add3A_6, %broadcast_in_dim3A_639], %add3A_647 : memref<64x129xf32, #tpu.memory_space<vmem>>[vector<16xi32>, vector<16xi32>], vector<16xf32>,
        %get3A_648 = arith.index_cast %scan3A_638 : i32 to index
        %get3A_649 = arith.constant 32 : index
        %get3A_650 = tpu.vector_load %arg9[%get3A_648, %get3A_649] {strides = array<i32>} : memref<128x64xf32, #tpu.memory_space<vmem>>, vector<16xf32>,
        %add3A_651 = arith.addf %get3A_650, %get3A_486 : vector<16xf32>
        tpu.vector_store_idx %arg11[%add3A_9, %broadcast_in_dim3A_639], %add3A_651 : memref<64x129xf32, #tpu.memory_space<vmem>>[vector<16xi32>, vector<16xi32>], vector<16xf32>,
        %get3A_652 = arith.index_cast %scan3A_638 : i32 to index
        %get3A_653 = arith.constant 48 : index
        %get3A_654 = tpu.vector_load %arg9[%get3A_652, %get3A_653] {strides = array<i32>} : memref<128x64xf32, #tpu.memory_space<vmem>>, vector<16xf32>,
        %add3A_655 = arith.addf %get3A_654, %get3A_489 : vector<16xf32>
        tpu.vector_store_idx %arg11[%add3A_12, %broadcast_in_dim3A_639], %add3A_655 : memref<64x129xf32, #tpu.memory_space<vmem>>[vector<16xi32>, vector<16xi32>], vector<16xf32>,
        %scan3A_656 = arith.constant 0 : i32
        %scan3A_657 = arith.constant 2 : i32
        %scan3A_658 = arith.addi %scan3A_618, %scan3A_657 : i32
        %broadcast_in_dim3A_659 = vector.broadcast %scan3A_658 : i32 to vector<16xi32>
        %get3A_660 = arith.index_cast %scan3A_658 : i32 to index
        %get3A_661 = arith.constant 0 : index
        %get3A_662 = tpu.vector_load %arg9[%get3A_660, %get3A_661] {strides = array<i32>} : memref<128x64xf32, #tpu.memory_space<vmem>>, vector<16xf32>,
        %add3A_663 = arith.addf %get3A_662, %get3A_480 : vector<16xf32>
        tpu.vector_store_idx %arg11[%add3A_3, %broadcast_in_dim3A_659], %add3A_663 : memref<64x129xf32, #tpu.memory_space<vmem>>[vector<16xi32>, vector<16xi32>], vector<16xf32>,
        %get3A_664 = arith.index_cast %scan3A_658 : i32 to index
        %get3A_665 = arith.constant 16 : index
        %get3A_666 = tpu.vector_load %arg9[%get3A_664, %get3A_665] {strides = array<i32>} : memref<128x64xf32, #tpu.memory_space<vmem>>, vector<16xf32>,
        %add3A_667 = arith.addf %get3A_666, %get3A_483 : vector<16xf32>
        tpu.vector_store_idx %arg11[%add3A_6, %broadcast_in_dim3A_659], %add3A_667 : memref<64x129xf32, #tpu.memory_space<vmem>>[vector<16xi32>, vector<16xi32>], vector<16xf32>,
        %get3A_668 = arith.index_cast %scan3A_658 : i32 to index
        %get3A_669 = arith.constant 32 : index
        %get3A_670 = tpu.vector_load %arg9[%get3A_668, %get3A_669] {strides = array<i32>} : memref<128x64xf32, #tpu.memory_space<vmem>>, vector<16xf32>,
        %add3A_671 = arith.addf %get3A_670, %get3A_486 : vector<16xf32>
        tpu.vector_store_idx %arg11[%add3A_9, %broadcast_in_dim3A_659], %add3A_671 : memref<64x129xf32, #tpu.memory_space<vmem>>[vector<16xi32>, vector<16xi32>], vector<16xf32>,
        %get3A_672 = arith.index_cast %scan3A_658 : i32 to index
        %get3A_673 = arith.constant 48 : index
        %get3A_674 = tpu.vector_load %arg9[%get3A_672, %get3A_673] {strides = array<i32>} : memref<128x64xf32, #tpu.memory_space<vmem>>, vector<16xf32>,
        %add3A_675 = arith.addf %get3A_674, %get3A_489 : vector<16xf32>
        tpu.vector_store_idx %arg11[%add3A_12, %broadcast_in_dim3A_659], %add3A_675 : memref<64x129xf32, #tpu.memory_space<vmem>>[vector<16xi32>, vector<16xi32>], vector<16xf32>,
        %scan3A_676 = arith.constant 0 : i32
        %scan3A_677 = arith.constant 3 : i32
        %scan3A_678 = arith.addi %scan3A_618, %scan3A_677 : i32
        %broadcast_in_dim3A_679 = vector.broadcast %scan3A_678 : i32 to vector<16xi32>
        %get3A_680 = arith.index_cast %scan3A_678 : i32 to index
        %get3A_681 = arith.constant 0 : index
        %get3A_682 = tpu.vector_load %arg9[%get3A_680, %get3A_681] {strides = array<i32>} : memref<128x64xf32, #tpu.memory_space<vmem>>, vector<16xf32>,
        %add3A_683 = arith.addf %get3A_682, %get3A_480 : vector<16xf32>
        tpu.vector_store_idx %arg11[%add3A_3, %broadcast_in_dim3A_679], %add3A_683 : memref<64x129xf32, #tpu.memory_space<vmem>>[vector<16xi32>, vector<16xi32>], vector<16xf32>,
        %get3A_684 = arith.index_cast %scan3A_678 : i32 to index
        %get3A_685 = arith.constant 16 : index
        %get3A_686 = tpu.vector_load %arg9[%get3A_684, %get3A_685] {strides = array<i32>} : memref<128x64xf32, #tpu.memory_space<vmem>>, vector<16xf32>,
        %add3A_687 = arith.addf %get3A_686, %get3A_483 : vector<16xf32>
        tpu.vector_store_idx %arg11[%add3A_6, %broadcast_in_dim3A_679], %add3A_687 : memref<64x129xf32, #tpu.memory_space<vmem>>[vector<16xi32>, vector<16xi32>], vector<16xf32>,
        %get3A_688 = arith.index_cast %scan3A_678 : i32 to index
        %get3A_689 = arith.constant 32 : index
        %get3A_690 = tpu.vector_load %arg9[%get3A_688, %get3A_689] {strides = array<i32>} : memref<128x64xf32, #tpu.memory_space<vmem>>, vector<16xf32>,
        %add3A_691 = arith.addf %get3A_690, %get3A_486 : vector<16xf32>
        tpu.vector_store_idx %arg11[%add3A_9, %broadcast_in_dim3A_679], %add3A_691 : memref<64x129xf32, #tpu.memory_space<vmem>>[vector<16xi32>, vector<16xi32>], vector<16xf32>,
        %get3A_692 = arith.index_cast %scan3A_678 : i32 to index
        %get3A_693 = arith.constant 48 : index
        %get3A_694 = tpu.vector_load %arg9[%get3A_692, %get3A_693] {strides = array<i32>} : memref<128x64xf32, #tpu.memory_space<vmem>>, vector<16xf32>,
        %add3A_695 = arith.addf %get3A_694, %get3A_489 : vector<16xf32>
        tpu.vector_store_idx %arg11[%add3A_12, %broadcast_in_dim3A_679], %add3A_695 : memref<64x129xf32, #tpu.memory_space<vmem>>[vector<16xi32>, vector<16xi32>], vector<16xf32>,
        %scan3A_696 = arith.constant 0 : i32
        scf.yield %scan3A_696 : i32
      }
      %scan3A_496 = arith.constant 128 : i32
      %dma_start3A_497 = arith.constant 0 : i32
      %dma_start3A_498 = arith.constant 0 : i32
      %dma_start3A_499 = arith.constant 0 : i32
      %dma_start3A_500 = tpu.memref_slice %arg11[%dma_start3A_498, %dma_start3A_499] : memref<64x129xf32, #tpu.memory_space<vmem>> -> memref<8x128xf32, #tpu.memory_space<vmem>>
      %dma_start3A_501 = arith.constant 0 : i32
      %dma_start3A_502 = arith.constant 0 : i32
      %dma_start3A_503 = tpu.memref_slice %arg5[%add3A_458, %dma_start3A_497, %add3A, %dma_start3A_501, %dma_start3A_502] : memref<200x8x32x8x128xf32, #tpu.memory_space<hbm>> -> memref<1x1x1x8x128xf32, #tpu.memory_space<hbm>>
      %dma_start3A_504 = tpu.memref_squeeze %dma_start3A_503 : memref<1x1x1x8x128xf32, #tpu.memory_space<hbm>> -> memref<8x128xf32, #tpu.memory_space<hbm>>
      %dma_start3A_505 = arith.constant 0 : i32
      %dma_start3A_506 = arith.constant 0 : i32
      %dma_start3A_507 = tpu.memref_slice %arg5[%add3A_458, %dma_start3A_497, %add3A, %dma_start3A_505, %dma_start3A_506] : memref<200x8x32x8x128xf32, #tpu.memory_space<hbm>> -> memref<1x1x1x8x128xf32, #tpu.memory_space<hbm>>
      %dma_start3A_508 = tpu.memref_squeeze %dma_start3A_507 : memref<1x1x1x8x128xf32, #tpu.memory_space<hbm>> -> memref<8x128xf32, #tpu.memory_space<hbm>>
      %dma_start3A_509 = arith.constant 0 : i32
      %dma_start3A_510 = arith.constant 0 : i32
      %dma_start3A_511 = tpu.memref_slice %arg11[%dma_start3A_509, %dma_start3A_510] : memref<64x129xf32, #tpu.memory_space<vmem>> -> memref<8x128xf32, #tpu.memory_space<vmem>>
      tpu.enqueue_dma source(%dma_start3A_511 : memref<8x128xf32, #tpu.memory_space<vmem>>) target(%dma_start3A_508 : memref<8x128xf32, #tpu.memory_space<hbm>>) target_semaphore(%arg15 : memref<!tpu.dma_semaphore, #tpu.memory_space<semaphore_mem>>)
      %dma_start3A_512 = arith.constant 1 : i32
      %dma_start3A_513 = arith.constant 8 : i32
      %dma_start3A_514 = arith.constant 0 : i32
      %dma_start3A_515 = tpu.memref_slice %arg11[%dma_start3A_513, %dma_start3A_514] : memref<64x129xf32, #tpu.memory_space<vmem>> -> memref<8x128xf32, #tpu.memory_space<vmem>>
      %dma_start3A_516 = arith.constant 0 : i32
      %dma_start3A_517 = arith.constant 0 : i32
      %dma_start3A_518 = tpu.memref_slice %arg5[%add3A_458, %dma_start3A_512, %add3A, %dma_start3A_516, %dma_start3A_517] : memref<200x8x32x8x128xf32, #tpu.memory_space<hbm>> -> memref<1x1x1x8x128xf32, #tpu.memory_space<hbm>>
      %dma_start3A_519 = tpu.memref_squeeze %dma_start3A_518 : memref<1x1x1x8x128xf32, #tpu.memory_space<hbm>> -> memref<8x128xf32, #tpu.memory_space<hbm>>
      %dma_start3A_520 = arith.constant 0 : i32
      %dma_start3A_521 = arith.constant 0 : i32
      %dma_start3A_522 = tpu.memref_slice %arg5[%add3A_458, %dma_start3A_512, %add3A, %dma_start3A_520, %dma_start3A_521] : memref<200x8x32x8x128xf32, #tpu.memory_space<hbm>> -> memref<1x1x1x8x128xf32, #tpu.memory_space<hbm>>
      %dma_start3A_523 = tpu.memref_squeeze %dma_start3A_522 : memref<1x1x1x8x128xf32, #tpu.memory_space<hbm>> -> memref<8x128xf32, #tpu.memory_space<hbm>>
      %dma_start3A_524 = arith.constant 8 : i32
      %dma_start3A_525 = arith.constant 0 : i32
      %dma_start3A_526 = tpu.memref_slice %arg11[%dma_start3A_524, %dma_start3A_525] : memref<64x129xf32, #tpu.memory_space<vmem>> -> memref<8x128xf32, #tpu.memory_space<vmem>>
      tpu.enqueue_dma source(%dma_start3A_526 : memref<8x128xf32, #tpu.memory_space<vmem>>) target(%dma_start3A_523 : memref<8x128xf32, #tpu.memory_space<hbm>>) target_semaphore(%arg15 : memref<!tpu.dma_semaphore, #tpu.memory_space<semaphore_mem>>)
      %dma_start3A_527 = arith.constant 2 : i32
      %dma_start3A_528 = arith.constant 16 : i32
      %dma_start3A_529 = arith.constant 0 : i32
      %dma_start3A_530 = tpu.memref_slice %arg11[%dma_start3A_528, %dma_start3A_529] : memref<64x129xf32, #tpu.memory_space<vmem>> -> memref<8x128xf32, #tpu.memory_space<vmem>>
      %dma_start3A_531 = arith.constant 0 : i32
      %dma_start3A_532 = arith.constant 0 : i32
      %dma_start3A_533 = tpu.memref_slice %arg5[%add3A_458, %dma_start3A_527, %add3A, %dma_start3A_531, %dma_start3A_532] : memref<200x8x32x8x128xf32, #tpu.memory_space<hbm>> -> memref<1x1x1x8x128xf32, #tpu.memory_space<hbm>>
      %dma_start3A_534 = tpu.memref_squeeze %dma_start3A_533 : memref<1x1x1x8x128xf32, #tpu.memory_space<hbm>> -> memref<8x128xf32, #tpu.memory_space<hbm>>
      %dma_start3A_535 = arith.constant 0 : i32
      %dma_start3A_536 = arith.constant 0 : i32
      %dma_start3A_537 = tpu.memref_slice %arg5[%add3A_458, %dma_start3A_527, %add3A, %dma_start3A_535, %dma_start3A_536] : memref<200x8x32x8x128xf32, #tpu.memory_space<hbm>> -> memref<1x1x1x8x128xf32, #tpu.memory_space<hbm>>
      %dma_start3A_538 = tpu.memref_squeeze %dma_start3A_537 : memref<1x1x1x8x128xf32, #tpu.memory_space<hbm>> -> memref<8x128xf32, #tpu.memory_space<hbm>>
      %dma_start3A_539 = arith.constant 16 : i32
      %dma_start3A_540 = arith.constant 0 : i32
      %dma_start3A_541 = tpu.memref_slice %arg11[%dma_start3A_539, %dma_start3A_540] : memref<64x129xf32, #tpu.memory_space<vmem>> -> memref<8x128xf32, #tpu.memory_space<vmem>>
      tpu.enqueue_dma source(%dma_start3A_541 : memref<8x128xf32, #tpu.memory_space<vmem>>) target(%dma_start3A_538 : memref<8x128xf32, #tpu.memory_space<hbm>>) target_semaphore(%arg15 : memref<!tpu.dma_semaphore, #tpu.memory_space<semaphore_mem>>)
      %dma_start3A_542 = arith.constant 3 : i32
      %dma_start3A_543 = arith.constant 24 : i32
      %dma_start3A_544 = arith.constant 0 : i32
      %dma_start3A_545 = tpu.memref_slice %arg11[%dma_start3A_543, %dma_start3A_544] : memref<64x129xf32, #tpu.memory_space<vmem>> -> memref<8x128xf32, #tpu.memory_space<vmem>>
      %dma_start3A_546 = arith.constant 0 : i32
      %dma_start3A_547 = arith.constant 0 : i32
      %dma_start3A_548 = tpu.memref_slice %arg5[%add3A_458, %dma_start3A_542, %add3A, %dma_start3A_546, %dma_start3A_547] : memref<200x8x32x8x128xf32, #tpu.memory_space<hbm>> -> memref<1x1x1x8x128xf32, #tpu.memory_space<hbm>>
      %dma_start3A_549 = tpu.memref_squeeze %dma_start3A_548 : memref<1x1x1x8x128xf32, #tpu.memory_space<hbm>> -> memref<8x128xf32, #tpu.memory_space<hbm>>
      %dma_start3A_550 = arith.constant 0 : i32
      %dma_start3A_551 = arith.constant 0 : i32
      %dma_start3A_552 = tpu.memref_slice %arg5[%add3A_458, %dma_start3A_542, %add3A, %dma_start3A_550, %dma_start3A_551] : memref<200x8x32x8x128xf32, #tpu.memory_space<hbm>> -> memref<1x1x1x8x128xf32, #tpu.memory_space<hbm>>
      %dma_start3A_553 = tpu.memref_squeeze %dma_start3A_552 : memref<1x1x1x8x128xf32, #tpu.memory_space<hbm>> -> memref<8x128xf32, #tpu.memory_space<hbm>>
      %dma_start3A_554 = arith.constant 24 : i32
      %dma_start3A_555 = arith.constant 0 : i32
      %dma_start3A_556 = tpu.memref_slice %arg11[%dma_start3A_554, %dma_start3A_555] : memref<64x129xf32, #tpu.memory_space<vmem>> -> memref<8x128xf32, #tpu.memory_space<vmem>>
      tpu.enqueue_dma source(%dma_start3A_556 : memref<8x128xf32, #tpu.memory_space<vmem>>) target(%dma_start3A_553 : memref<8x128xf32, #tpu.memory_space<hbm>>) target_semaphore(%arg15 : memref<!tpu.dma_semaphore, #tpu.memory_space<semaphore_mem>>)
      %dma_start3A_557 = arith.constant 4 : i32
      %dma_start3A_558 = arith.constant 32 : i32
      %dma_start3A_559 = arith.constant 0 : i32
      %dma_start3A_560 = tpu.memref_slice %arg11[%dma_start3A_558, %dma_start3A_559] : memref<64x129xf32, #tpu.memory_space<vmem>> -> memref<8x128xf32, #tpu.memory_space<vmem>>
      %dma_start3A_561 = arith.constant 0 : i32
      %dma_start3A_562 = arith.constant 0 : i32
      %dma_start3A_563 = tpu.memref_slice %arg5[%add3A_458, %dma_start3A_557, %add3A, %dma_start3A_561, %dma_start3A_562] : memref<200x8x32x8x128xf32, #tpu.memory_space<hbm>> -> memref<1x1x1x8x128xf32, #tpu.memory_space<hbm>>
      %dma_start3A_564 = tpu.memref_squeeze %dma_start3A_563 : memref<1x1x1x8x128xf32, #tpu.memory_space<hbm>> -> memref<8x128xf32, #tpu.memory_space<hbm>>
      %dma_start3A_565 = arith.constant 0 : i32
      %dma_start3A_566 = arith.constant 0 : i32
      %dma_start3A_567 = tpu.memref_slice %arg5[%add3A_458, %dma_start3A_557, %add3A, %dma_start3A_565, %dma_start3A_566] : memref<200x8x32x8x128xf32, #tpu.memory_space<hbm>> -> memref<1x1x1x8x128xf32, #tpu.memory_space<hbm>>
      %dma_start3A_568 = tpu.memref_squeeze %dma_start3A_567 : memref<1x1x1x8x128xf32, #tpu.memory_space<hbm>> -> memref<8x128xf32, #tpu.memory_space<hbm>>
      %dma_start3A_569 = arith.constant 32 : i32
      %dma_start3A_570 = arith.constant 0 : i32
      %dma_start3A_571 = tpu.memref_slice %arg11[%dma_start3A_569, %dma_start3A_570] : memref<64x129xf32, #tpu.memory_space<vmem>> -> memref<8x128xf32, #tpu.memory_space<vmem>>
      tpu.enqueue_dma source(%dma_start3A_571 : memref<8x128xf32, #tpu.memory_space<vmem>>) target(%dma_start3A_568 : memref<8x128xf32, #tpu.memory_space<hbm>>) target_semaphore(%arg15 : memref<!tpu.dma_semaphore, #tpu.memory_space<semaphore_mem>>)
      %dma_start3A_572 = arith.constant 5 : i32
      %dma_start3A_573 = arith.constant 40 : i32
      %dma_start3A_574 = arith.constant 0 : i32
      %dma_start3A_575 = tpu.memref_slice %arg11[%dma_start3A_573, %dma_start3A_574] : memref<64x129xf32, #tpu.memory_space<vmem>> -> memref<8x128xf32, #tpu.memory_space<vmem>>
      %dma_start3A_576 = arith.constant 0 : i32
      %dma_start3A_577 = arith.constant 0 : i32
      %dma_start3A_578 = tpu.memref_slice %arg5[%add3A_458, %dma_start3A_572, %add3A, %dma_start3A_576, %dma_start3A_577] : memref<200x8x32x8x128xf32, #tpu.memory_space<hbm>> -> memref<1x1x1x8x128xf32, #tpu.memory_space<hbm>>
      %dma_start3A_579 = tpu.memref_squeeze %dma_start3A_578 : memref<1x1x1x8x128xf32, #tpu.memory_space<hbm>> -> memref<8x128xf32, #tpu.memory_space<hbm>>
      %dma_start3A_580 = arith.constant 0 : i32
      %dma_start3A_581 = arith.constant 0 : i32
      %dma_start3A_582 = tpu.memref_slice %arg5[%add3A_458, %dma_start3A_572, %add3A, %dma_start3A_580, %dma_start3A_581] : memref<200x8x32x8x128xf32, #tpu.memory_space<hbm>> -> memref<1x1x1x8x128xf32, #tpu.memory_space<hbm>>
      %dma_start3A_583 = tpu.memref_squeeze %dma_start3A_582 : memref<1x1x1x8x128xf32, #tpu.memory_space<hbm>> -> memref<8x128xf32, #tpu.memory_space<hbm>>
      %dma_start3A_584 = arith.constant 40 : i32
      %dma_start3A_585 = arith.constant 0 : i32
      %dma_start3A_586 = tpu.memref_slice %arg11[%dma_start3A_584, %dma_start3A_585] : memref<64x129xf32, #tpu.memory_space<vmem>> -> memref<8x128xf32, #tpu.memory_space<vmem>>
      tpu.enqueue_dma source(%dma_start3A_586 : memref<8x128xf32, #tpu.memory_space<vmem>>) target(%dma_start3A_583 : memref<8x128xf32, #tpu.memory_space<hbm>>) target_semaphore(%arg15 : memref<!tpu.dma_semaphore, #tpu.memory_space<semaphore_mem>>)
      %dma_start3A_587 = arith.constant 6 : i32
      %dma_start3A_588 = arith.constant 48 : i32
      %dma_start3A_589 = arith.constant 0 : i32
      %dma_start3A_590 = tpu.memref_slice %arg11[%dma_start3A_588, %dma_start3A_589] : memref<64x129xf32, #tpu.memory_space<vmem>> -> memref<8x128xf32, #tpu.memory_space<vmem>>
      %dma_start3A_591 = arith.constant 0 : i32
      %dma_start3A_592 = arith.constant 0 : i32
      %dma_start3A_593 = tpu.memref_slice %arg5[%add3A_458, %dma_start3A_587, %add3A, %dma_start3A_591, %dma_start3A_592] : memref<200x8x32x8x128xf32, #tpu.memory_space<hbm>> -> memref<1x1x1x8x128xf32, #tpu.memory_space<hbm>>
      %dma_start3A_594 = tpu.memref_squeeze %dma_start3A_593 : memref<1x1x1x8x128xf32, #tpu.memory_space<hbm>> -> memref<8x128xf32, #tpu.memory_space<hbm>>
      %dma_start3A_595 = arith.constant 0 : i32
      %dma_start3A_596 = arith.constant 0 : i32
      %dma_start3A_597 = tpu.memref_slice %arg5[%add3A_458, %dma_start3A_587, %add3A, %dma_start3A_595, %dma_start3A_596] : memref<200x8x32x8x128xf32, #tpu.memory_space<hbm>> -> memref<1x1x1x8x128xf32, #tpu.memory_space<hbm>>
      %dma_start3A_598 = tpu.memref_squeeze %dma_start3A_597 : memref<1x1x1x8x128xf32, #tpu.memory_space<hbm>> -> memref<8x128xf32, #tpu.memory_space<hbm>>
      %dma_start3A_599 = arith.constant 48 : i32
      %dma_start3A_600 = arith.constant 0 : i32
      %dma_start3A_601 = tpu.memref_slice %arg11[%dma_start3A_599, %dma_start3A_600] : memref<64x129xf32, #tpu.memory_space<vmem>> -> memref<8x128xf32, #tpu.memory_space<vmem>>
      tpu.enqueue_dma source(%dma_start3A_601 : memref<8x128xf32, #tpu.memory_space<vmem>>) target(%dma_start3A_598 : memref<8x128xf32, #tpu.memory_space<hbm>>) target_semaphore(%arg15 : memref<!tpu.dma_semaphore, #tpu.memory_space<semaphore_mem>>)
      %dma_start3A_602 = arith.constant 7 : i32
      %dma_start3A_603 = arith.constant 56 : i32
      %dma_start3A_604 = arith.constant 0 : i32
      %dma_start3A_605 = tpu.memref_slice %arg11[%dma_start3A_603, %dma_start3A_604] : memref<64x129xf32, #tpu.memory_space<vmem>> -> memref<8x128xf32, #tpu.memory_space<vmem>>
      %dma_start3A_606 = arith.constant 0 : i32
      %dma_start3A_607 = arith.constant 0 : i32
      %dma_start3A_608 = tpu.memref_slice %arg5[%add3A_458, %dma_start3A_602, %add3A, %dma_start3A_606, %dma_start3A_607] : memref<200x8x32x8x128xf32, #tpu.memory_space<hbm>> -> memref<1x1x1x8x128xf32, #tpu.memory_space<hbm>>
      %dma_start3A_609 = tpu.memref_squeeze %dma_start3A_608 : memref<1x1x1x8x128xf32, #tpu.memory_space<hbm>> -> memref<8x128xf32, #tpu.memory_space<hbm>>
      %dma_start3A_610 = arith.constant 0 : i32
      %dma_start3A_611 = arith.constant 0 : i32
      %dma_start3A_612 = tpu.memref_slice %arg5[%add3A_458, %dma_start3A_602, %add3A, %dma_start3A_610, %dma_start3A_611] : memref<200x8x32x8x128xf32, #tpu.memory_space<hbm>> -> memref<1x1x1x8x128xf32, #tpu.memory_space<hbm>>
      %dma_start3A_613 = tpu.memref_squeeze %dma_start3A_612 : memref<1x1x1x8x128xf32, #tpu.memory_space<hbm>> -> memref<8x128xf32, #tpu.memory_space<hbm>>
      %dma_start3A_614 = arith.constant 56 : i32
      %dma_start3A_615 = arith.constant 0 : i32
      %dma_start3A_616 = tpu.memref_slice %arg11[%dma_start3A_614, %dma_start3A_615] : memref<64x129xf32, #tpu.memory_space<vmem>> -> memref<8x128xf32, #tpu.memory_space<vmem>>
      tpu.enqueue_dma source(%dma_start3A_616 : memref<8x128xf32, #tpu.memory_space<vmem>>) target(%dma_start3A_613 : memref<8x128xf32, #tpu.memory_space<hbm>>) target_semaphore(%arg15 : memref<!tpu.dma_semaphore, #tpu.memory_space<semaphore_mem>>)
      %scan3A_617 = arith.constant 0 : i32
      scf.yield %scan3A_617 : i32
    }
    %scan3A_24 = arith.constant 100 : i32
    %dma_wait3A = arith.constant 0 : i32
    %dma_wait3A_25 = arith.constant 0 : i32
    %dma_wait3A_26 = arith.constant 0 : i32
    %dma_wait3A_27 = arith.constant 0 : i32
    %dma_wait3A_28 = arith.constant 0 : i32
    %dma_wait3A_29 = tpu.memref_slice %arg10[%dma_wait3A_27, %dma_wait3A_28] : memref<64x129xf32, #tpu.memory_space<vmem>> -> memref<8x128xf32, #tpu.memory_space<vmem>>
    %dma_wait3A_30 = arith.constant 0 : i32
    %dma_wait3A_31 = arith.constant 0 : i32
    %dma_wait3A_32 = tpu.memref_slice %arg5[%dma_wait3A, %dma_wait3A_25, %dma_wait3A_26, %dma_wait3A_30, %dma_wait3A_31] : memref<200x8x32x8x128xf32, #tpu.memory_space<hbm>> -> memref<1x1x1x8x128xf32, #tpu.memory_space<hbm>>
    %dma_wait3A_33 = tpu.memref_squeeze %dma_wait3A_32 : memref<1x1x1x8x128xf32, #tpu.memory_space<hbm>> -> memref<8x128xf32, #tpu.memory_space<hbm>>
    %dma_wait3A_34 = arith.constant 0 : i32
    %dma_wait3A_35 = arith.constant 0 : i32
    %dma_wait3A_36 = tpu.memref_slice %arg5[%dma_wait3A, %dma_wait3A_25, %dma_wait3A_26, %dma_wait3A_34, %dma_wait3A_35] : memref<200x8x32x8x128xf32, #tpu.memory_space<hbm>> -> memref<1x1x1x8x128xf32, #tpu.memory_space<hbm>>
    %dma_wait3A_37 = tpu.memref_squeeze %dma_wait3A_36 : memref<1x1x1x8x128xf32, #tpu.memory_space<hbm>> -> memref<8x128xf32, #tpu.memory_space<hbm>>
    %dma_wait3A_38 = arith.constant 0 : i32
    %dma_wait3A_39 = arith.constant 0 : i32
    %dma_wait3A_40 = tpu.memref_slice %arg10[%dma_wait3A_38, %dma_wait3A_39] : memref<64x129xf32, #tpu.memory_space<vmem>> -> memref<8x128xf32, #tpu.memory_space<vmem>>
    tpu.wait_dma2 semaphore(%arg14 : memref<!tpu.dma_semaphore, #tpu.memory_space<semaphore_mem>>) src(%dma_wait3A_40 : memref<8x128xf32, #tpu.memory_space<vmem>>) dst(%dma_wait3A_37 : memref<8x128xf32, #tpu.memory_space<hbm>>)
    %dma_wait3A_41 = arith.constant 0 : i32
    %dma_wait3A_42 = arith.constant 0 : i32
    %dma_wait3A_43 = arith.constant 0 : i32
    %dma_wait3A_44 = arith.constant 8 : i32
    %dma_wait3A_45 = arith.constant 0 : i32
    %dma_wait3A_46 = tpu.memref_slice %arg10[%dma_wait3A_44, %dma_wait3A_45] : memref<64x129xf32, #tpu.memory_space<vmem>> -> memref<8x128xf32, #tpu.memory_space<vmem>>
    %dma_wait3A_47 = arith.constant 0 : i32
    %dma_wait3A_48 = arith.constant 0 : i32
    %dma_wait3A_49 = tpu.memref_slice %arg5[%dma_wait3A_41, %dma_wait3A_42, %dma_wait3A_43, %dma_wait3A_47, %dma_wait3A_48] : memref<200x8x32x8x128xf32, #tpu.memory_space<hbm>> -> memref<1x1x1x8x128xf32, #tpu.memory_space<hbm>>
    %dma_wait3A_50 = tpu.memref_squeeze %dma_wait3A_49 : memref<1x1x1x8x128xf32, #tpu.memory_space<hbm>> -> memref<8x128xf32, #tpu.memory_space<hbm>>
    %dma_wait3A_51 = arith.constant 0 : i32
    %dma_wait3A_52 = arith.constant 0 : i32
    %dma_wait3A_53 = tpu.memref_slice %arg5[%dma_wait3A_41, %dma_wait3A_42, %dma_wait3A_43, %dma_wait3A_51, %dma_wait3A_52] : memref<200x8x32x8x128xf32, #tpu.memory_space<hbm>> -> memref<1x1x1x8x128xf32, #tpu.memory_space<hbm>>
    %dma_wait3A_54 = tpu.memref_squeeze %dma_wait3A_53 : memref<1x1x1x8x128xf32, #tpu.memory_space<hbm>> -> memref<8x128xf32, #tpu.memory_space<hbm>>
    %dma_wait3A_55 = arith.constant 8 : i32
    %dma_wait3A_56 = arith.constant 0 : i32
    %dma_wait3A_57 = tpu.memref_slice %arg10[%dma_wait3A_55, %dma_wait3A_56] : memref<64x129xf32, #tpu.memory_space<vmem>> -> memref<8x128xf32, #tpu.memory_space<vmem>>
    tpu.wait_dma2 semaphore(%arg14 : memref<!tpu.dma_semaphore, #tpu.memory_space<semaphore_mem>>) src(%dma_wait3A_57 : memref<8x128xf32, #tpu.memory_space<vmem>>) dst(%dma_wait3A_54 : memref<8x128xf32, #tpu.memory_space<hbm>>)
    %dma_wait3A_58 = arith.constant 0 : i32
    %dma_wait3A_59 = arith.constant 0 : i32
    %dma_wait3A_60 = arith.constant 0 : i32
    %dma_wait3A_61 = arith.constant 16 : i32
    %dma_wait3A_62 = arith.constant 0 : i32
    %dma_wait3A_63 = tpu.memref_slice %arg10[%dma_wait3A_61, %dma_wait3A_62] : memref<64x129xf32, #tpu.memory_space<vmem>> -> memref<8x128xf32, #tpu.memory_space<vmem>>
    %dma_wait3A_64 = arith.constant 0 : i32
    %dma_wait3A_65 = arith.constant 0 : i32
    %dma_wait3A_66 = tpu.memref_slice %arg5[%dma_wait3A_58, %dma_wait3A_59, %dma_wait3A_60, %dma_wait3A_64, %dma_wait3A_65] : memref<200x8x32x8x128xf32, #tpu.memory_space<hbm>> -> memref<1x1x1x8x128xf32, #tpu.memory_space<hbm>>
    %dma_wait3A_67 = tpu.memref_squeeze %dma_wait3A_66 : memref<1x1x1x8x128xf32, #tpu.memory_space<hbm>> -> memref<8x128xf32, #tpu.memory_space<hbm>>
    %dma_wait3A_68 = arith.constant 0 : i32
    %dma_wait3A_69 = arith.constant 0 : i32
    %dma_wait3A_70 = tpu.memref_slice %arg5[%dma_wait3A_58, %dma_wait3A_59, %dma_wait3A_60, %dma_wait3A_68, %dma_wait3A_69] : memref<200x8x32x8x128xf32, #tpu.memory_space<hbm>> -> memref<1x1x1x8x128xf32, #tpu.memory_space<hbm>>
    %dma_wait3A_71 = tpu.memref_squeeze %dma_wait3A_70 : memref<1x1x1x8x128xf32, #tpu.memory_space<hbm>> -> memref<8x128xf32, #tpu.memory_space<hbm>>
    %dma_wait3A_72 = arith.constant 16 : i32
    %dma_wait3A_73 = arith.constant 0 : i32
    %dma_wait3A_74 = tpu.memref_slice %arg10[%dma_wait3A_72, %dma_wait3A_73] : memref<64x129xf32, #tpu.memory_space<vmem>> -> memref<8x128xf32, #tpu.memory_space<vmem>>
    tpu.wait_dma2 semaphore(%arg14 : memref<!tpu.dma_semaphore, #tpu.memory_space<semaphore_mem>>) src(%dma_wait3A_74 : memref<8x128xf32, #tpu.memory_space<vmem>>) dst(%dma_wait3A_71 : memref<8x128xf32, #tpu.memory_space<hbm>>)
    %dma_wait3A_75 = arith.constant 0 : i32
    %dma_wait3A_76 = arith.constant 0 : i32
    %dma_wait3A_77 = arith.constant 0 : i32
    %dma_wait3A_78 = arith.constant 24 : i32
    %dma_wait3A_79 = arith.constant 0 : i32
    %dma_wait3A_80 = tpu.memref_slice %arg10[%dma_wait3A_78, %dma_wait3A_79] : memref<64x129xf32, #tpu.memory_space<vmem>> -> memref<8x128xf32, #tpu.memory_space<vmem>>
    %dma_wait3A_81 = arith.constant 0 : i32
    %dma_wait3A_82 = arith.constant 0 : i32
    %dma_wait3A_83 = tpu.memref_slice %arg5[%dma_wait3A_75, %dma_wait3A_76, %dma_wait3A_77, %dma_wait3A_81, %dma_wait3A_82] : memref<200x8x32x8x128xf32, #tpu.memory_space<hbm>> -> memref<1x1x1x8x128xf32, #tpu.memory_space<hbm>>
    %dma_wait3A_84 = tpu.memref_squeeze %dma_wait3A_83 : memref<1x1x1x8x128xf32, #tpu.memory_space<hbm>> -> memref<8x128xf32, #tpu.memory_space<hbm>>
    %dma_wait3A_85 = arith.constant 0 : i32
    %dma_wait3A_86 = arith.constant 0 : i32
    %dma_wait3A_87 = tpu.memref_slice %arg5[%dma_wait3A_75, %dma_wait3A_76, %dma_wait3A_77, %dma_wait3A_85, %dma_wait3A_86] : memref<200x8x32x8x128xf32, #tpu.memory_space<hbm>> -> memref<1x1x1x8x128xf32, #tpu.memory_space<hbm>>
    %dma_wait3A_88 = tpu.memref_squeeze %dma_wait3A_87 : memref<1x1x1x8x128xf32, #tpu.memory_space<hbm>> -> memref<8x128xf32, #tpu.memory_space<hbm>>
    %dma_wait3A_89 = arith.constant 24 : i32
    %dma_wait3A_90 = arith.constant 0 : i32
    %dma_wait3A_91 = tpu.memref_slice %arg10[%dma_wait3A_89, %dma_wait3A_90] : memref<64x129xf32, #tpu.memory_space<vmem>> -> memref<8x128xf32, #tpu.memory_space<vmem>>
    tpu.wait_dma2 semaphore(%arg14 : memref<!tpu.dma_semaphore, #tpu.memory_space<semaphore_mem>>) src(%dma_wait3A_91 : memref<8x128xf32, #tpu.memory_space<vmem>>) dst(%dma_wait3A_88 : memref<8x128xf32, #tpu.memory_space<hbm>>)
    %dma_wait3A_92 = arith.constant 0 : i32
    %dma_wait3A_93 = arith.constant 0 : i32
    %dma_wait3A_94 = arith.constant 0 : i32
    %dma_wait3A_95 = arith.constant 32 : i32
    %dma_wait3A_96 = arith.constant 0 : i32
    %dma_wait3A_97 = tpu.memref_slice %arg10[%dma_wait3A_95, %dma_wait3A_96] : memref<64x129xf32, #tpu.memory_space<vmem>> -> memref<8x128xf32, #tpu.memory_space<vmem>>
    %dma_wait3A_98 = arith.constant 0 : i32
    %dma_wait3A_99 = arith.constant 0 : i32
    %dma_wait3A_100 = tpu.memref_slice %arg5[%dma_wait3A_92, %dma_wait3A_93, %dma_wait3A_94, %dma_wait3A_98, %dma_wait3A_99] : memref<200x8x32x8x128xf32, #tpu.memory_space<hbm>> -> memref<1x1x1x8x128xf32, #tpu.memory_space<hbm>>
    %dma_wait3A_101 = tpu.memref_squeeze %dma_wait3A_100 : memref<1x1x1x8x128xf32, #tpu.memory_space<hbm>> -> memref<8x128xf32, #tpu.memory_space<hbm>>
    %dma_wait3A_102 = arith.constant 0 : i32
    %dma_wait3A_103 = arith.constant 0 : i32
    %dma_wait3A_104 = tpu.memref_slice %arg5[%dma_wait3A_92, %dma_wait3A_93, %dma_wait3A_94, %dma_wait3A_102, %dma_wait3A_103] : memref<200x8x32x8x128xf32, #tpu.memory_space<hbm>> -> memref<1x1x1x8x128xf32, #tpu.memory_space<hbm>>
    %dma_wait3A_105 = tpu.memref_squeeze %dma_wait3A_104 : memref<1x1x1x8x128xf32, #tpu.memory_space<hbm>> -> memref<8x128xf32, #tpu.memory_space<hbm>>
    %dma_wait3A_106 = arith.constant 32 : i32
    %dma_wait3A_107 = arith.constant 0 : i32
    %dma_wait3A_108 = tpu.memref_slice %arg10[%dma_wait3A_106, %dma_wait3A_107] : memref<64x129xf32, #tpu.memory_space<vmem>> -> memref<8x128xf32, #tpu.memory_space<vmem>>
    tpu.wait_dma2 semaphore(%arg14 : memref<!tpu.dma_semaphore, #tpu.memory_space<semaphore_mem>>) src(%dma_wait3A_108 : memref<8x128xf32, #tpu.memory_space<vmem>>) dst(%dma_wait3A_105 : memref<8x128xf32, #tpu.memory_space<hbm>>)
    %dma_wait3A_109 = arith.constant 0 : i32
    %dma_wait3A_110 = arith.constant 0 : i32
    %dma_wait3A_111 = arith.constant 0 : i32
    %dma_wait3A_112 = arith.constant 40 : i32
    %dma_wait3A_113 = arith.constant 0 : i32
    %dma_wait3A_114 = tpu.memref_slice %arg10[%dma_wait3A_112, %dma_wait3A_113] : memref<64x129xf32, #tpu.memory_space<vmem>> -> memref<8x128xf32, #tpu.memory_space<vmem>>
    %dma_wait3A_115 = arith.constant 0 : i32
    %dma_wait3A_116 = arith.constant 0 : i32
    %dma_wait3A_117 = tpu.memref_slice %arg5[%dma_wait3A_109, %dma_wait3A_110, %dma_wait3A_111, %dma_wait3A_115, %dma_wait3A_116] : memref<200x8x32x8x128xf32, #tpu.memory_space<hbm>> -> memref<1x1x1x8x128xf32, #tpu.memory_space<hbm>>
    %dma_wait3A_118 = tpu.memref_squeeze %dma_wait3A_117 : memref<1x1x1x8x128xf32, #tpu.memory_space<hbm>> -> memref<8x128xf32, #tpu.memory_space<hbm>>
    %dma_wait3A_119 = arith.constant 0 : i32
    %dma_wait3A_120 = arith.constant 0 : i32
    %dma_wait3A_121 = tpu.memref_slice %arg5[%dma_wait3A_109, %dma_wait3A_110, %dma_wait3A_111, %dma_wait3A_119, %dma_wait3A_120] : memref<200x8x32x8x128xf32, #tpu.memory_space<hbm>> -> memref<1x1x1x8x128xf32, #tpu.memory_space<hbm>>
    %dma_wait3A_122 = tpu.memref_squeeze %dma_wait3A_121 : memref<1x1x1x8x128xf32, #tpu.memory_space<hbm>> -> memref<8x128xf32, #tpu.memory_space<hbm>>
    %dma_wait3A_123 = arith.constant 40 : i32
    %dma_wait3A_124 = arith.constant 0 : i32
    %dma_wait3A_125 = tpu.memref_slice %arg10[%dma_wait3A_123, %dma_wait3A_124] : memref<64x129xf32, #tpu.memory_space<vmem>> -> memref<8x128xf32, #tpu.memory_space<vmem>>
    tpu.wait_dma2 semaphore(%arg14 : memref<!tpu.dma_semaphore, #tpu.memory_space<semaphore_mem>>) src(%dma_wait3A_125 : memref<8x128xf32, #tpu.memory_space<vmem>>) dst(%dma_wait3A_122 : memref<8x128xf32, #tpu.memory_space<hbm>>)
    %dma_wait3A_126 = arith.constant 0 : i32
    %dma_wait3A_127 = arith.constant 0 : i32
    %dma_wait3A_128 = arith.constant 0 : i32
    %dma_wait3A_129 = arith.constant 48 : i32
    %dma_wait3A_130 = arith.constant 0 : i32
    %dma_wait3A_131 = tpu.memref_slice %arg10[%dma_wait3A_129, %dma_wait3A_130] : memref<64x129xf32, #tpu.memory_space<vmem>> -> memref<8x128xf32, #tpu.memory_space<vmem>>
    %dma_wait3A_132 = arith.constant 0 : i32
    %dma_wait3A_133 = arith.constant 0 : i32
    %dma_wait3A_134 = tpu.memref_slice %arg5[%dma_wait3A_126, %dma_wait3A_127, %dma_wait3A_128, %dma_wait3A_132, %dma_wait3A_133] : memref<200x8x32x8x128xf32, #tpu.memory_space<hbm>> -> memref<1x1x1x8x128xf32, #tpu.memory_space<hbm>>
    %dma_wait3A_135 = tpu.memref_squeeze %dma_wait3A_134 : memref<1x1x1x8x128xf32, #tpu.memory_space<hbm>> -> memref<8x128xf32, #tpu.memory_space<hbm>>
    %dma_wait3A_136 = arith.constant 0 : i32
    %dma_wait3A_137 = arith.constant 0 : i32
    %dma_wait3A_138 = tpu.memref_slice %arg5[%dma_wait3A_126, %dma_wait3A_127, %dma_wait3A_128, %dma_wait3A_136, %dma_wait3A_137] : memref<200x8x32x8x128xf32, #tpu.memory_space<hbm>> -> memref<1x1x1x8x128xf32, #tpu.memory_space<hbm>>
    %dma_wait3A_139 = tpu.memref_squeeze %dma_wait3A_138 : memref<1x1x1x8x128xf32, #tpu.memory_space<hbm>> -> memref<8x128xf32, #tpu.memory_space<hbm>>
    %dma_wait3A_140 = arith.constant 48 : i32
    %dma_wait3A_141 = arith.constant 0 : i32
    %dma_wait3A_142 = tpu.memref_slice %arg10[%dma_wait3A_140, %dma_wait3A_141] : memref<64x129xf32, #tpu.memory_space<vmem>> -> memref<8x128xf32, #tpu.memory_space<vmem>>
    tpu.wait_dma2 semaphore(%arg14 : memref<!tpu.dma_semaphore, #tpu.memory_space<semaphore_mem>>) src(%dma_wait3A_142 : memref<8x128xf32, #tpu.memory_space<vmem>>) dst(%dma_wait3A_139 : memref<8x128xf32, #tpu.memory_space<hbm>>)
    %dma_wait3A_143 = arith.constant 0 : i32
    %dma_wait3A_144 = arith.constant 0 : i32
    %dma_wait3A_145 = arith.constant 0 : i32
    %dma_wait3A_146 = arith.constant 56 : i32
    %dma_wait3A_147 = arith.constant 0 : i32
    %dma_wait3A_148 = tpu.memref_slice %arg10[%dma_wait3A_146, %dma_wait3A_147] : memref<64x129xf32, #tpu.memory_space<vmem>> -> memref<8x128xf32, #tpu.memory_space<vmem>>
    %dma_wait3A_149 = arith.constant 0 : i32
    %dma_wait3A_150 = arith.constant 0 : i32
    %dma_wait3A_151 = tpu.memref_slice %arg5[%dma_wait3A_143, %dma_wait3A_144, %dma_wait3A_145, %dma_wait3A_149, %dma_wait3A_150] : memref<200x8x32x8x128xf32, #tpu.memory_space<hbm>> -> memref<1x1x1x8x128xf32, #tpu.memory_space<hbm>>
    %dma_wait3A_152 = tpu.memref_squeeze %dma_wait3A_151 : memref<1x1x1x8x128xf32, #tpu.memory_space<hbm>> -> memref<8x128xf32, #tpu.memory_space<hbm>>
    %dma_wait3A_153 = arith.constant 0 : i32
    %dma_wait3A_154 = arith.constant 0 : i32
    %dma_wait3A_155 = tpu.memref_slice %arg5[%dma_wait3A_143, %dma_wait3A_144, %dma_wait3A_145, %dma_wait3A_153, %dma_wait3A_154] : memref<200x8x32x8x128xf32, #tpu.memory_space<hbm>> -> memref<1x1x1x8x128xf32, #tpu.memory_space<hbm>>
    %dma_wait3A_156 = tpu.memref_squeeze %dma_wait3A_155 : memref<1x1x1x8x128xf32, #tpu.memory_space<hbm>> -> memref<8x128xf32, #tpu.memory_space<hbm>>
    %dma_wait3A_157 = arith.constant 56 : i32
    %dma_wait3A_158 = arith.constant 0 : i32
    %dma_wait3A_159 = tpu.memref_slice %arg10[%dma_wait3A_157, %dma_wait3A_158] : memref<64x129xf32, #tpu.memory_space<vmem>> -> memref<8x128xf32, #tpu.memory_space<vmem>>
    tpu.wait_dma2 semaphore(%arg14 : memref<!tpu.dma_semaphore, #tpu.memory_space<semaphore_mem>>) src(%dma_wait3A_159 : memref<8x128xf32, #tpu.memory_space<vmem>>) dst(%dma_wait3A_156 : memref<8x128xf32, #tpu.memory_space<hbm>>)
    %dma_wait3A_160 = arith.constant 0 : i32
    %dma_wait3A_161 = arith.constant 0 : i32
    %dma_wait3A_162 = arith.constant 0 : i32
    %dma_wait3A_163 = arith.constant 0 : i32
    %dma_wait3A_164 = arith.constant 0 : i32
    %dma_wait3A_165 = tpu.memref_slice %arg11[%dma_wait3A_163, %dma_wait3A_164] : memref<64x129xf32, #tpu.memory_space<vmem>> -> memref<8x128xf32, #tpu.memory_space<vmem>>
    %dma_wait3A_166 = arith.constant 0 : i32
    %dma_wait3A_167 = arith.constant 0 : i32
    %dma_wait3A_168 = tpu.memref_slice %arg5[%dma_wait3A_160, %dma_wait3A_161, %dma_wait3A_162, %dma_wait3A_166, %dma_wait3A_167] : memref<200x8x32x8x128xf32, #tpu.memory_space<hbm>> -> memref<1x1x1x8x128xf32, #tpu.memory_space<hbm>>
    %dma_wait3A_169 = tpu.memref_squeeze %dma_wait3A_168 : memref<1x1x1x8x128xf32, #tpu.memory_space<hbm>> -> memref<8x128xf32, #tpu.memory_space<hbm>>
    %dma_wait3A_170 = arith.constant 0 : i32
    %dma_wait3A_171 = arith.constant 0 : i32
    %dma_wait3A_172 = tpu.memref_slice %arg5[%dma_wait3A_160, %dma_wait3A_161, %dma_wait3A_162, %dma_wait3A_170, %dma_wait3A_171] : memref<200x8x32x8x128xf32, #tpu.memory_space<hbm>> -> memref<1x1x1x8x128xf32, #tpu.memory_space<hbm>>
    %dma_wait3A_173 = tpu.memref_squeeze %dma_wait3A_172 : memref<1x1x1x8x128xf32, #tpu.memory_space<hbm>> -> memref<8x128xf32, #tpu.memory_space<hbm>>
    %dma_wait3A_174 = arith.constant 0 : i32
    %dma_wait3A_175 = arith.constant 0 : i32
    %dma_wait3A_176 = tpu.memref_slice %arg11[%dma_wait3A_174, %dma_wait3A_175] : memref<64x129xf32, #tpu.memory_space<vmem>> -> memref<8x128xf32, #tpu.memory_space<vmem>>
    tpu.wait_dma2 semaphore(%arg15 : memref<!tpu.dma_semaphore, #tpu.memory_space<semaphore_mem>>) src(%dma_wait3A_176 : memref<8x128xf32, #tpu.memory_space<vmem>>) dst(%dma_wait3A_173 : memref<8x128xf32, #tpu.memory_space<hbm>>)
    %dma_wait3A_177 = arith.constant 0 : i32
    %dma_wait3A_178 = arith.constant 0 : i32
    %dma_wait3A_179 = arith.constant 0 : i32
    %dma_wait3A_180 = arith.constant 8 : i32
    %dma_wait3A_181 = arith.constant 0 : i32
    %dma_wait3A_182 = tpu.memref_slice %arg11[%dma_wait3A_180, %dma_wait3A_181] : memref<64x129xf32, #tpu.memory_space<vmem>> -> memref<8x128xf32, #tpu.memory_space<vmem>>
    %dma_wait3A_183 = arith.constant 0 : i32
    %dma_wait3A_184 = arith.constant 0 : i32
    %dma_wait3A_185 = tpu.memref_slice %arg5[%dma_wait3A_177, %dma_wait3A_178, %dma_wait3A_179, %dma_wait3A_183, %dma_wait3A_184] : memref<200x8x32x8x128xf32, #tpu.memory_space<hbm>> -> memref<1x1x1x8x128xf32, #tpu.memory_space<hbm>>
    %dma_wait3A_186 = tpu.memref_squeeze %dma_wait3A_185 : memref<1x1x1x8x128xf32, #tpu.memory_space<hbm>> -> memref<8x128xf32, #tpu.memory_space<hbm>>
    %dma_wait3A_187 = arith.constant 0 : i32
    %dma_wait3A_188 = arith.constant 0 : i32
    %dma_wait3A_189 = tpu.memref_slice %arg5[%dma_wait3A_177, %dma_wait3A_178, %dma_wait3A_179, %dma_wait3A_187, %dma_wait3A_188] : memref<200x8x32x8x128xf32, #tpu.memory_space<hbm>> -> memref<1x1x1x8x128xf32, #tpu.memory_space<hbm>>
    %dma_wait3A_190 = tpu.memref_squeeze %dma_wait3A_189 : memref<1x1x1x8x128xf32, #tpu.memory_space<hbm>> -> memref<8x128xf32, #tpu.memory_space<hbm>>
    %dma_wait3A_191 = arith.constant 8 : i32
    %dma_wait3A_192 = arith.constant 0 : i32
    %dma_wait3A_193 = tpu.memref_slice %arg11[%dma_wait3A_191, %dma_wait3A_192] : memref<64x129xf32, #tpu.memory_space<vmem>> -> memref<8x128xf32, #tpu.memory_space<vmem>>
    tpu.wait_dma2 semaphore(%arg15 : memref<!tpu.dma_semaphore, #tpu.memory_space<semaphore_mem>>) src(%dma_wait3A_193 : memref<8x128xf32, #tpu.memory_space<vmem>>) dst(%dma_wait3A_190 : memref<8x128xf32, #tpu.memory_space<hbm>>)
    %dma_wait3A_194 = arith.constant 0 : i32
    %dma_wait3A_195 = arith.constant 0 : i32
    %dma_wait3A_196 = arith.constant 0 : i32
    %dma_wait3A_197 = arith.constant 16 : i32
    %dma_wait3A_198 = arith.constant 0 : i32
    %dma_wait3A_199 = tpu.memref_slice %arg11[%dma_wait3A_197, %dma_wait3A_198] : memref<64x129xf32, #tpu.memory_space<vmem>> -> memref<8x128xf32, #tpu.memory_space<vmem>>
    %dma_wait3A_200 = arith.constant 0 : i32
    %dma_wait3A_201 = arith.constant 0 : i32
    %dma_wait3A_202 = tpu.memref_slice %arg5[%dma_wait3A_194, %dma_wait3A_195, %dma_wait3A_196, %dma_wait3A_200, %dma_wait3A_201] : memref<200x8x32x8x128xf32, #tpu.memory_space<hbm>> -> memref<1x1x1x8x128xf32, #tpu.memory_space<hbm>>
    %dma_wait3A_203 = tpu.memref_squeeze %dma_wait3A_202 : memref<1x1x1x8x128xf32, #tpu.memory_space<hbm>> -> memref<8x128xf32, #tpu.memory_space<hbm>>
    %dma_wait3A_204 = arith.constant 0 : i32
    %dma_wait3A_205 = arith.constant 0 : i32
    %dma_wait3A_206 = tpu.memref_slice %arg5[%dma_wait3A_194, %dma_wait3A_195, %dma_wait3A_196, %dma_wait3A_204, %dma_wait3A_205] : memref<200x8x32x8x128xf32, #tpu.memory_space<hbm>> -> memref<1x1x1x8x128xf32, #tpu.memory_space<hbm>>
    %dma_wait3A_207 = tpu.memref_squeeze %dma_wait3A_206 : memref<1x1x1x8x128xf32, #tpu.memory_space<hbm>> -> memref<8x128xf32, #tpu.memory_space<hbm>>
    %dma_wait3A_208 = arith.constant 16 : i32
    %dma_wait3A_209 = arith.constant 0 : i32
    %dma_wait3A_210 = tpu.memref_slice %arg11[%dma_wait3A_208, %dma_wait3A_209] : memref<64x129xf32, #tpu.memory_space<vmem>> -> memref<8x128xf32, #tpu.memory_space<vmem>>
    tpu.wait_dma2 semaphore(%arg15 : memref<!tpu.dma_semaphore, #tpu.memory_space<semaphore_mem>>) src(%dma_wait3A_210 : memref<8x128xf32, #tpu.memory_space<vmem>>) dst(%dma_wait3A_207 : memref<8x128xf32, #tpu.memory_space<hbm>>)
    %dma_wait3A_211 = arith.constant 0 : i32
    %dma_wait3A_212 = arith.constant 0 : i32
    %dma_wait3A_213 = arith.constant 0 : i32
    %dma_wait3A_214 = arith.constant 24 : i32
    %dma_wait3A_215 = arith.constant 0 : i32
    %dma_wait3A_216 = tpu.memref_slice %arg11[%dma_wait3A_214, %dma_wait3A_215] : memref<64x129xf32, #tpu.memory_space<vmem>> -> memref<8x128xf32, #tpu.memory_space<vmem>>
    %dma_wait3A_217 = arith.constant 0 : i32
    %dma_wait3A_218 = arith.constant 0 : i32
    %dma_wait3A_219 = tpu.memref_slice %arg5[%dma_wait3A_211, %dma_wait3A_212, %dma_wait3A_213, %dma_wait3A_217, %dma_wait3A_218] : memref<200x8x32x8x128xf32, #tpu.memory_space<hbm>> -> memref<1x1x1x8x128xf32, #tpu.memory_space<hbm>>
    %dma_wait3A_220 = tpu.memref_squeeze %dma_wait3A_219 : memref<1x1x1x8x128xf32, #tpu.memory_space<hbm>> -> memref<8x128xf32, #tpu.memory_space<hbm>>
    %dma_wait3A_221 = arith.constant 0 : i32
    %dma_wait3A_222 = arith.constant 0 : i32
    %dma_wait3A_223 = tpu.memref_slice %arg5[%dma_wait3A_211, %dma_wait3A_212, %dma_wait3A_213, %dma_wait3A_221, %dma_wait3A_222] : memref<200x8x32x8x128xf32, #tpu.memory_space<hbm>> -> memref<1x1x1x8x128xf32, #tpu.memory_space<hbm>>
    %dma_wait3A_224 = tpu.memref_squeeze %dma_wait3A_223 : memref<1x1x1x8x128xf32, #tpu.memory_space<hbm>> -> memref<8x128xf32, #tpu.memory_space<hbm>>
    %dma_wait3A_225 = arith.constant 24 : i32
    %dma_wait3A_226 = arith.constant 0 : i32
    %dma_wait3A_227 = tpu.memref_slice %arg11[%dma_wait3A_225, %dma_wait3A_226] : memref<64x129xf32, #tpu.memory_space<vmem>> -> memref<8x128xf32, #tpu.memory_space<vmem>>
    tpu.wait_dma2 semaphore(%arg15 : memref<!tpu.dma_semaphore, #tpu.memory_space<semaphore_mem>>) src(%dma_wait3A_227 : memref<8x128xf32, #tpu.memory_space<vmem>>) dst(%dma_wait3A_224 : memref<8x128xf32, #tpu.memory_space<hbm>>)
    %dma_wait3A_228 = arith.constant 0 : i32
    %dma_wait3A_229 = arith.constant 0 : i32
    %dma_wait3A_230 = arith.constant 0 : i32
    %dma_wait3A_231 = arith.constant 32 : i32
    %dma_wait3A_232 = arith.constant 0 : i32
    %dma_wait3A_233 = tpu.memref_slice %arg11[%dma_wait3A_231, %dma_wait3A_232] : memref<64x129xf32, #tpu.memory_space<vmem>> -> memref<8x128xf32, #tpu.memory_space<vmem>>
    %dma_wait3A_234 = arith.constant 0 : i32
    %dma_wait3A_235 = arith.constant 0 : i32
    %dma_wait3A_236 = tpu.memref_slice %arg5[%dma_wait3A_228, %dma_wait3A_229, %dma_wait3A_230, %dma_wait3A_234, %dma_wait3A_235] : memref<200x8x32x8x128xf32, #tpu.memory_space<hbm>> -> memref<1x1x1x8x128xf32, #tpu.memory_space<hbm>>
    %dma_wait3A_237 = tpu.memref_squeeze %dma_wait3A_236 : memref<1x1x1x8x128xf32, #tpu.memory_space<hbm>> -> memref<8x128xf32, #tpu.memory_space<hbm>>
    %dma_wait3A_238 = arith.constant 0 : i32
    %dma_wait3A_239 = arith.constant 0 : i32
    %dma_wait3A_240 = tpu.memref_slice %arg5[%dma_wait3A_228, %dma_wait3A_229, %dma_wait3A_230, %dma_wait3A_238, %dma_wait3A_239] : memref<200x8x32x8x128xf32, #tpu.memory_space<hbm>> -> memref<1x1x1x8x128xf32, #tpu.memory_space<hbm>>
    %dma_wait3A_241 = tpu.memref_squeeze %dma_wait3A_240 : memref<1x1x1x8x128xf32, #tpu.memory_space<hbm>> -> memref<8x128xf32, #tpu.memory_space<hbm>>
    %dma_wait3A_242 = arith.constant 32 : i32
    %dma_wait3A_243 = arith.constant 0 : i32
    %dma_wait3A_244 = tpu.memref_slice %arg11[%dma_wait3A_242, %dma_wait3A_243] : memref<64x129xf32, #tpu.memory_space<vmem>> -> memref<8x128xf32, #tpu.memory_space<vmem>>
    tpu.wait_dma2 semaphore(%arg15 : memref<!tpu.dma_semaphore, #tpu.memory_space<semaphore_mem>>) src(%dma_wait3A_244 : memref<8x128xf32, #tpu.memory_space<vmem>>) dst(%dma_wait3A_241 : memref<8x128xf32, #tpu.memory_space<hbm>>)
    %dma_wait3A_245 = arith.constant 0 : i32
    %dma_wait3A_246 = arith.constant 0 : i32
    %dma_wait3A_247 = arith.constant 0 : i32
    %dma_wait3A_248 = arith.constant 40 : i32
    %dma_wait3A_249 = arith.constant 0 : i32
    %dma_wait3A_250 = tpu.memref_slice %arg11[%dma_wait3A_248, %dma_wait3A_249] : memref<64x129xf32, #tpu.memory_space<vmem>> -> memref<8x128xf32, #tpu.memory_space<vmem>>
    %dma_wait3A_251 = arith.constant 0 : i32
    %dma_wait3A_252 = arith.constant 0 : i32
    %dma_wait3A_253 = tpu.memref_slice %arg5[%dma_wait3A_245, %dma_wait3A_246, %dma_wait3A_247, %dma_wait3A_251, %dma_wait3A_252] : memref<200x8x32x8x128xf32, #tpu.memory_space<hbm>> -> memref<1x1x1x8x128xf32, #tpu.memory_space<hbm>>
    %dma_wait3A_254 = tpu.memref_squeeze %dma_wait3A_253 : memref<1x1x1x8x128xf32, #tpu.memory_space<hbm>> -> memref<8x128xf32, #tpu.memory_space<hbm>>
    %dma_wait3A_255 = arith.constant 0 : i32
    %dma_wait3A_256 = arith.constant 0 : i32
    %dma_wait3A_257 = tpu.memref_slice %arg5[%dma_wait3A_245, %dma_wait3A_246, %dma_wait3A_247, %dma_wait3A_255, %dma_wait3A_256] : memref<200x8x32x8x128xf32, #tpu.memory_space<hbm>> -> memref<1x1x1x8x128xf32, #tpu.memory_space<hbm>>
    %dma_wait3A_258 = tpu.memref_squeeze %dma_wait3A_257 : memref<1x1x1x8x128xf32, #tpu.memory_space<hbm>> -> memref<8x128xf32, #tpu.memory_space<hbm>>
    %dma_wait3A_259 = arith.constant 40 : i32
    %dma_wait3A_260 = arith.constant 0 : i32
    %dma_wait3A_261 = tpu.memref_slice %arg11[%dma_wait3A_259, %dma_wait3A_260] : memref<64x129xf32, #tpu.memory_space<vmem>> -> memref<8x128xf32, #tpu.memory_space<vmem>>
    tpu.wait_dma2 semaphore(%arg15 : memref<!tpu.dma_semaphore, #tpu.memory_space<semaphore_mem>>) src(%dma_wait3A_261 : memref<8x128xf32, #tpu.memory_space<vmem>>) dst(%dma_wait3A_258 : memref<8x128xf32, #tpu.memory_space<hbm>>)
    %dma_wait3A_262 = arith.constant 0 : i32
    %dma_wait3A_263 = arith.constant 0 : i32
    %dma_wait3A_264 = arith.constant 0 : i32
    %dma_wait3A_265 = arith.constant 48 : i32
    %dma_wait3A_266 = arith.constant 0 : i32
    %dma_wait3A_267 = tpu.memref_slice %arg11[%dma_wait3A_265, %dma_wait3A_266] : memref<64x129xf32, #tpu.memory_space<vmem>> -> memref<8x128xf32, #tpu.memory_space<vmem>>
    %dma_wait3A_268 = arith.constant 0 : i32
    %dma_wait3A_269 = arith.constant 0 : i32
    %dma_wait3A_270 = tpu.memref_slice %arg5[%dma_wait3A_262, %dma_wait3A_263, %dma_wait3A_264, %dma_wait3A_268, %dma_wait3A_269] : memref<200x8x32x8x128xf32, #tpu.memory_space<hbm>> -> memref<1x1x1x8x128xf32, #tpu.memory_space<hbm>>
    %dma_wait3A_271 = tpu.memref_squeeze %dma_wait3A_270 : memref<1x1x1x8x128xf32, #tpu.memory_space<hbm>> -> memref<8x128xf32, #tpu.memory_space<hbm>>
    %dma_wait3A_272 = arith.constant 0 : i32
    %dma_wait3A_273 = arith.constant 0 : i32
    %dma_wait3A_274 = tpu.memref_slice %arg5[%dma_wait3A_262, %dma_wait3A_263, %dma_wait3A_264, %dma_wait3A_272, %dma_wait3A_273] : memref<200x8x32x8x128xf32, #tpu.memory_space<hbm>> -> memref<1x1x1x8x128xf32, #tpu.memory_space<hbm>>
    %dma_wait3A_275 = tpu.memref_squeeze %dma_wait3A_274 : memref<1x1x1x8x128xf32, #tpu.memory_space<hbm>> -> memref<8x128xf32, #tpu.memory_space<hbm>>
    %dma_wait3A_276 = arith.constant 48 : i32
    %dma_wait3A_277 = arith.constant 0 : i32
    %dma_wait3A_278 = tpu.memref_slice %arg11[%dma_wait3A_276, %dma_wait3A_277] : memref<64x129xf32, #tpu.memory_space<vmem>> -> memref<8x128xf32, #tpu.memory_space<vmem>>
    tpu.wait_dma2 semaphore(%arg15 : memref<!tpu.dma_semaphore, #tpu.memory_space<semaphore_mem>>) src(%dma_wait3A_278 : memref<8x128xf32, #tpu.memory_space<vmem>>) dst(%dma_wait3A_275 : memref<8x128xf32, #tpu.memory_space<hbm>>)
    %dma_wait3A_279 = arith.constant 0 : i32
    %dma_wait3A_280 = arith.constant 0 : i32
    %dma_wait3A_281 = arith.constant 0 : i32
    %dma_wait3A_282 = arith.constant 56 : i32
    %dma_wait3A_283 = arith.constant 0 : i32
    %dma_wait3A_284 = tpu.memref_slice %arg11[%dma_wait3A_282, %dma_wait3A_283] : memref<64x129xf32, #tpu.memory_space<vmem>> -> memref<8x128xf32, #tpu.memory_space<vmem>>
    %dma_wait3A_285 = arith.constant 0 : i32
    %dma_wait3A_286 = arith.constant 0 : i32
    %dma_wait3A_287 = tpu.memref_slice %arg5[%dma_wait3A_279, %dma_wait3A_280, %dma_wait3A_281, %dma_wait3A_285, %dma_wait3A_286] : memref<200x8x32x8x128xf32, #tpu.memory_space<hbm>> -> memref<1x1x1x8x128xf32, #tpu.memory_space<hbm>>
    %dma_wait3A_288 = tpu.memref_squeeze %dma_wait3A_287 : memref<1x1x1x8x128xf32, #tpu.memory_space<hbm>> -> memref<8x128xf32, #tpu.memory_space<hbm>>
    %dma_wait3A_289 = arith.constant 0 : i32
    %dma_wait3A_290 = arith.constant 0 : i32
    %dma_wait3A_291 = tpu.memref_slice %arg5[%dma_wait3A_279, %dma_wait3A_280, %dma_wait3A_281, %dma_wait3A_289, %dma_wait3A_290] : memref<200x8x32x8x128xf32, #tpu.memory_space<hbm>> -> memref<1x1x1x8x128xf32, #tpu.memory_space<hbm>>
    %dma_wait3A_292 = tpu.memref_squeeze %dma_wait3A_291 : memref<1x1x1x8x128xf32, #tpu.memory_space<hbm>> -> memref<8x128xf32, #tpu.memory_space<hbm>>
    %dma_wait3A_293 = arith.constant 56 : i32
    %dma_wait3A_294 = arith.constant 0 : i32
    %dma_wait3A_295 = tpu.memref_slice %arg11[%dma_wait3A_293, %dma_wait3A_294] : memref<64x129xf32, #tpu.memory_space<vmem>> -> memref<8x128xf32, #tpu.memory_space<vmem>>
    tpu.wait_dma2 semaphore(%arg15 : memref<!tpu.dma_semaphore, #tpu.memory_space<semaphore_mem>>) src(%dma_wait3A_295 : memref<8x128xf32, #tpu.memory_space<vmem>>) dst(%dma_wait3A_292 : memref<8x128xf32, #tpu.memory_space<hbm>>)
    return
  }
}

</mosaic_0001>

<sc_bundles>
// kernel: kernel.3.cloned.1.call-start
scs
__scs_entry_jumppad:
0x0: {  	(pc) =	sbr.rel $0x88, $3  }
0x1: {  	(tag) =	ssettag $0x0;
	lr =	simm.s32 $0x1  }
0x2: {  	[smem:$0x3F9E] =	sst lr;
	_ =	strace $0xD0000000  }
0x3: {  	_ = 	snop  }
0x4: {  	_ = 	snop  }
0x5: {  	_ = 	snop  }
0x6: {  	_ = 	snop  }
0x7: {  	_ = 	snop  }
__scs_overlays_trampoline_lowered:
0x8: {  	[smem:$0x3FAD] =	sst s0  }
0x9: {  	[smem:$0x3FAE] =	sst s1  }
0xa: {  	[smem:$0x3FAF] =	sst s2  }
0xb: {  	[smem:$0x3FB0] =	sst s3  }
0xc: {  	[smem:$0x3FB1] =	sst s4  }
0xd: {  	[smem:$0x3FB2] =	sst s5  }
0xe: {  	[smem:$0x3FB3] =	sst s6  }
0xf: {  	[smem:$0x3FB4] =	sst s7  }
0x10: {  	[smem:$0x3FB5] =	sst s8  }
0x11: {  	[smem:$0x3FB6] =	sst s9;
	s0 =	simm.s32 @!p0 $0x0  }
0x12: {  	s1 =	sld [smem:$0x3F9C];
	s0 =	simm.s32 @p0 $0x1  }
0x13: {  	[smem:$0x3FB7] =	sst s0;
	s0 =	simm.s32 @!p1 $0x0  }
0x14: {  	s2 =	sld [smem:$0x3F9B];
	s0 =	simm.s32 @p1 $0x1  }
0x15: {  	[smem:$0x3FB8] =	sst s0;
	s0 =	simm.s32 @!p2 $0x0  }
0x16: {  	s3 =	sld [smem:$0x3FDB];
	s0 =	simm.s32 @p2 $0x1  }
0x17: {  	s4 =	simm.s32 $0x1BF5;
	[smem:$0x3FBA] =	sst s0  }
0x18: {  	s0 =	sld [smem:$0x3F9D];
	_ =	swait.ge [sflag:s4], $0x0  }
0x19: {  	s7 =	sld [smem:$0x3F9E]  }
0x1a: {  	s8 =	sadd.s32 $0xFFFFE003, lr  }
0x1b: {  	s9 =	sadd.s32 $0xFFFFFEF7, lr;
	s5 =	simm.s32 $0xFFFFFFFF;
	p2 =	slt.u32 s8, $0xFFFFF086  }
0x1c: {  	p1 =	slt.u32 s9, $0xF7A;
	s5 =	simm.s32 @!p2 $0x0  }
0x1d: {  	s5 =	simm.s32 @p1 $0x1;
	p0 =	seq.s32 s7, s2  }
0x1e: {  	s7 =	smul.u32 @!p0 $0xF7A, s2;
	p2 =	seq.s32 @!p0 s5, $0x0  }
0x1f: {  	s9 =	smul.u32 $0xF7A, s1;
	s8 =	simm.s32 @!p0 $0x1BF5;
	p2 =	por !p2, p0  }
0x20: {  	[sflag:s8] =	ssyncset.s32 @!p0 $0xFFFFF086;
	s6 =	sadd.s32 @!p0 s3, s7;
	s7 =	simm.s32 @!p0 $0x108  }
0x21: {  	s3 =	sadd.s32 s3, s9;
	s6 =	sadd.s32 @!p0 $0x88, s6;
	s7 =	simm.s32 @p2 $0x1082  }
0x22: {  	[simem:s7], [sflag:s8] =	dma.local @!p0 [hbm:s6], $0xF7A  }
0x23: {  	s9 =	sor.u32 $0xD0000000, s2;
	s6 =	simm.s32 $0x108;
	_ =	swait.ge @!p0 [sflag:s8], $0x0  }
0x24: {  	s3 =	sadd.s32 $0x88, s3;
	s6 =	simm.s32 @!p1 $0x1082;
	[sflag:s4] =	ssyncset.s32 $0xFFFFF086  }
0x25: {  	[simem:s6], [sflag:s4] =	dma.local [hbm:s3], $0xF7A  }
0x26: {  	[smem:$0x3F9E] =	sst s1;
	(tag) =	ssettag s2;
	_ =	strace s9  }
0x27: {  	s1 =	sld [smem:$0x3FAE]  }
0x28: {  	s2 =	sld [smem:$0x3FAF]  }
0x29: {  	s4 =	sld [smem:$0x3FB1]  }
0x2a: {  	p0 =	seq.s32 s5, $0x0;
	s5 =	sld [smem:$0x3FB2]  }
0x2b: {  	s6 =	sld [smem:$0x3FB3]  }
0x2c: {  	s7 =	sld [smem:$0x3FB4]  }
0x2d: {  	s3 =	simm.s32 $0x108;
	s8 =	sld [smem:$0x3FB5]  }
0x2e: {  	s3 =	simm.s32 @!p0 $0x1082;
	s9 =	sld [smem:$0x3FB6]  }
0x2f: {  	lr =	sadd.s32 s0, s3;
	s0 =	sld [smem:$0x3FAD]  }
0x30: {  	s3 =	sld [smem:$0x3FB0]  }
0x31: {  	[smem:$0x3FB9] =	sst s10  }
0x32: {  	s10 =	sld [smem:$0x3FB7];
	_ =	sdelay $0x3  }
0x33: {  	p0 =	seq.s32 s10, $0x1;
	s10 =	sld [smem:$0x3FB9];
	_ =	sdelay $0x3  }
0x34: {  	[smem:$0x3FB9] =	sst s10  }
0x35: {  	s10 =	sld [smem:$0x3FB8];
	_ =	sdelay $0x3  }
0x36: {  	p1 =	seq.s32 s10, $0x1;
	s10 =	sld [smem:$0x3FB9];
	_ =	sdelay $0x3  }
0x37: {  	[smem:$0x3FB9] =	sst s10  }
0x38: {  	s10 =	sld [smem:$0x3FBA]  }
0x39: {  	_ = 	snop;
	(pc) =	sbr.ind lr, $3  }
0x3a: {  	_ = 	snop  }
0x3b: {  	_ = 	snop  }
0x3c: {  	p2 =	seq.s32 s10, $0x1;
	s10 =	sld [smem:$0x3FB9]  }
0x3d: {  	_ =	shalt  }
0x3e: {  	_ =	shalt  }
0x3f: {  	_ =	shalt  }
0x40: {  	_ =	shalt  }
0x41: {  	_ =	shalt  }
0x42: {  	_ =	shalt  }
0x43: {  	_ =	shalt  }
0x44: {  	_ =	shalt  }
0x45: {  	_ =	shalt  }
0x46: {  	_ =	shalt  }
0x47: {  	_ =	shalt  }
0x48: {  	_ =	shalt  }
0x49: {  	_ =	shalt  }
0x4a: {  	_ =	shalt  }
0x4b: {  	_ =	shalt  }
0x4c: {  	_ =	shalt  }
0x4d: {  	_ =	shalt  }
0x4e: {  	_ =	shalt  }
0x4f: {  	_ =	shalt  }
0x50: {  	_ =	shalt  }
0x51: {  	_ =	shalt  }
0x52: {  	_ =	shalt  }
0x53: {  	_ =	shalt  }
0x54: {  	_ =	shalt  }
0x55: {  	_ =	shalt  }
0x56: {  	_ =	shalt  }
0x57: {  	_ =	shalt  }
0x58: {  	_ =	shalt  }
0x59: {  	_ =	shalt  }
0x5a: {  	_ =	shalt  }
0x5b: {  	_ =	shalt  }
0x5c: {  	_ =	shalt  }
0x5d: {  	_ =	shalt  }
0x5e: {  	_ =	shalt  }
0x5f: {  	_ =	shalt  }
0x60: {  	_ =	shalt  }
0x61: {  	_ =	shalt  }
0x62: {  	_ =	shalt  }
0x63: {  	_ =	shalt  }
0x64: {  	_ =	shalt  }
0x65: {  	_ =	shalt  }
0x66: {  	_ =	shalt  }
0x67: {  	_ =	shalt  }
0x68: {  	_ =	shalt  }
0x69: {  	_ =	shalt  }
0x6a: {  	_ =	shalt  }
0x6b: {  	_ =	shalt  }
0x6c: {  	_ =	shalt  }
0x6d: {  	_ =	shalt  }
0x6e: {  	_ =	shalt  }
0x6f: {  	_ =	shalt  }
0x70: {  	_ =	shalt  }
0x71: {  	_ =	shalt  }
0x72: {  	_ =	shalt  }
0x73: {  	_ =	shalt  }
0x74: {  	_ =	shalt  }
0x75: {  	_ =	shalt  }
0x76: {  	_ =	shalt  }
0x77: {  	_ =	shalt  }
0x78: {  	_ =	shalt  }
0x79: {  	_ =	shalt  }
0x7a: {  	_ =	shalt  }
0x7b: {  	_ =	shalt  }
0x7c: {  	_ =	shalt  }
0x7d: {  	_ =	shalt  }
0x7e: {  	_ =	shalt  }
0x7f: {  	_ =	shalt  }
0x80: {  	_ =	shalt  }
0x81: {  	_ =	shalt  }
0x82: {  	_ =	shalt  }
0x83: {  	_ =	shalt  }
0x84: {  	_ =	shalt  }
0x85: {  	_ =	shalt  }
0x86: {  	_ =	shalt  }
0x87: {  	_ =	shalt  }
.Lfunc_end0:
.L_simem_size_0:
called_computation_lowered:
.L_overlay_start_0:
0x88: {  	s2 =	sld [smem:$0x3FD9]  }
0x89: {  	s3 =	sld [smem:$0x3FFE];
	_ =	sdelay $0x1  }
0x8a: {  	s1 =	srdreg.scid  }
0x8b: {  	s0 =	sand.u32 $0x1, s1  }
0x8c: {  	s17 =	sshll.u32 s0, $0xA;
	s2 =	sadd.s32 s3, s2  }
0x8d: {  	s2 =	sadd.s32 s2, s17  }
0x8e: {  	[smem:$0x3FC5] =	sst s2  }
0x8f: {  	_ = 	snop  }
0x90: {  	s2 =	sld [smem:$0x3FD0];
	(tm) =	ssettm $0x1  }
0x91: {  	s18 =	sld [smem:$0x3FFB];
	_ =	sdelay $0x3  }
0x92: {  	_ =	strace s18  }
0x93: {  	s3 =	sld [smem:$0x3FFC];
	_ =	sdelay $0x3  }
0x94: {  	_ =	strace s3  }
0x95: {  	s3 =	sld [smem:$0x3FFD];
	_ =	sdelay $0x3  }
0x96: {  	_ =	strace s3  }
0x97: {  	_ =	strace $0x8FFFFFFF  }
0x98: {  	s19 =	sld [smem:$0x3FDB];
	_ =	sdelay $0x1  }
0x99: {  	s4 =	simm.s32 $_scs_section_size  }
0x9a: {  	s5 =	simm.s32 $_size__tile_overlayer_lowered;
	s6 =	simm.s32 $_tile_overlayer_lowered  }
0x9b: {  	s22 =	simm.s32 $0x1BFF;
	s21 =	sshll.u32 s6, $0x1;
	s3 =	sadd.s32 s4, s19  }
0x9c: {  	s7 =	simm.s32 $0x0;
	s20 =	sshll.u32 s5, $0x1;
	s5 =	sadd.s32 s21, s3  }
0x9d: {  	[timem:s7], [sflag:s22] =	dma.local [hbm:s5], s20  }
0x9e: {  	_ =	swait.ge [sflag:s22], s20  }
0x9f: {  	s4 =	ssub.s32 $0x0, s20;
	[sflag:s22] =	ssyncset.done $0x0  }
0xa0: {  	[sflag:s22] =	ssyncadd.s32 s4;
	_ =	sdelay $0x1  }
0xa1: {  	s23 =	simm.s32 $0x1B8B  }
0xa2: {  	_ =	swait.ge [sflag:s23], $0x1  }
0xa3: {  	[sflag:s23] =	ssyncset.done $0x0  }
0xa4: {  	s25 =	simm.s32 $0x1B8E;
	s24 =	sld [smem:$0x3FFE];
	[sflag:s23] =	ssyncadd.s32 $0xFFFFFFFF  }
0xa5: {  	s26 =	simm.s32 $execute0_lowered;
	[smem:$0x3FD2] =	sst s25  }
0xa6: {  	s5 =	sshll.u32 s26, $0x1;
	_ =	strace $0x80000046;
	[dreg:$0x1] =	wrdreg $0xFFFFFFFF  }
0xa7: {  	s28 =	simm.s32 $_size_execute0_lowered;
	s3 =	sadd.s32 s3, s5;
	[dreg:$0x0] =	wrdreg $0x0  }
0xa8: {  	s5 =	sshll.u32 s28, $0x1;
	[dreg:$0x2] =	wrdreg s3  }
0xa9: {  	[dreg:$0x3] =	wrdreg s5  }
0xaa: {  	[dreg:$0x4] =	wrdreg $0xC0  }
0xab: {  	_ =	task [dreg:s7], $0x5FFFF  }
0xac: {  	[dreg:$0x1] =	wrdreg $0xFFFFFFFF  }
0xad: {  	[dreg:$0x0] =	wrdreg $0x60  }
0xae: {  	[dreg:$0x2] =	wrdreg s24  }
0xaf: {  	[dreg:$0x3] =	wrdreg s2  }
0xb0: {  	[dreg:$0x4] =	wrdreg $0x9  }
0xb1: {  	_ =	task.clear_ibuf [dreg:s7], $0x5FFFF;
	_ =	strace $0x90000046  }
0xb2: {  	s29 =	simm.s32 $0x9;
	_ =	strace $0x80000048  }
0xb3: {  	_ =	swait.ge [sflag:s29], $0x1  }
0xb4: {  	[sflag:s29] =	ssyncadd.s32 $0xFFFFFFFF  }
0xb5: {  	_ =	strace $0x90000048  }
0xb6: {  	_ =	sfence  }
0xb7: {  	s30 =	sld [smem:$0x0];
	_ =	sdelay $0x2  }
0xb8: {  	s31 =	sshll.u32 s1, $0xD;
	s1 =	sshrl.u32 s1, $0x2  }
0xb9: {  	s3 =	sand.u32 $0x4000, s31;
	s1 =	sadd.s32 s1, s30  }
0xba: {  	s0 =	sor.u32 s3, s0;
	s1 =	sshll.u32 s1, $0x11  }
0xbb: {  	s0 =	sor.u32 s1, s0  }
0xbc: {  	s0 =	sadd.s32 $0x8F2B, s0  }
0xbd: {  	[sflag:s0] =	ssyncadd.remote.s32 $0x1  }
0xbe: {  	_ =	sfence.sel $0xFFFF  }
0xbf: {  	[dreg:$0x0] =	wrdreg $0xFFFFFFFF;
	(pc) =	sbr.abs _section_cstart, $3  }
0xc0: {  	[dreg:$0x1] =	wrdreg $0xFFFFFFFF  }
0xc1: {  	_ =	task.clear_ibuf [dreg:s7], $0x2FFFF;
	_ =	strace $0x9FFFFFFF  }
0xc2: {  	(tm) =	ssettm $0x7FFFFFFF  }
0xc3: {  	_ =	shalt  }
tec
execute0_lowered:
.L_overlay_start_1:
0x0: {  	(tag) =	ssettag $0x1  }
0x1: {  	s0 =	rddreg [dreg:$0x0]  }
0x2: {  	s1 =	srdreg.scid;
	s3 =	stileid.u32  }
0x3: {  	s2 =	rddreg [dreg:$0x1];
	s16 =	simm.s32 $0x80;
	s22 =	simm.s32 $0x1  }
0x4: {  	s23 =	simm.s32 $0xD600;
	s15 =	simm.s32 $0x4;
	s18 =	simm.s32 $0xF800  }
0x5: {  	s20 =	simm.s32 $0x11648;
	s21 =	simm.s32 $0x116D0;
	s24 =	simm.s32 $0x11758  }
0x6: {  	s25 =	simm.s32 $0x117E0;
	s26 =	simm.s32 $0x11868;
	s28 =	simm.s32 $0x118F0  }
0x7: {  	s29 =	simm.s32 $0x11978;
	s1 =	sand.u32 $0x1, s1;
	s4 =	sshll.u32 s3, $0x1  }
0x8: {  	s3 =	simm.s32 $0x0;
	s8 =	sadd.s32 $0x1000, s2;
	s9 =	sadd.s32 $0x2000, s2  }
0x9: {  	s10 =	sadd.s32 $0x3000, s2;
	s11 =	sadd.s32 $0x4000, s2;
	s12 =	sadd.s32 $0x5000, s2  }
0xa: {  	s13 =	sadd.s32 $0x6000, s2;
	s14 =	sadd.s32 $0x7000, s2;
	s5 =	sor.u32 s1, s4  }
0xb: {  	[smem:$0x7FF] =	sst s3;
	s1 =	ssub.s32 $0x2, s1;
	s4 =	sshll.u32 s5, $0x4  }
0xc: {  	_ =	strace $0x80000047;
	s30 =	sshrl.u32 s1, $0x1;
	s7 =	sshll.u32 s5, $0xA  }
0xd: {  	v0 =	vlaneseq.u32;
	s6 =	sadd.s32 s4, s0;
	s4 =	sadd.s32 $0x19C00, s0;
	s0 =	sadd.s32 $0x400, s0  }
0xe: {  	v0 =	vmul.u32 $0x88, v0;
	[dreg:$0x3] =	wrdreg s0;
	s0 =	ssub.s32 s1, s30;
	s31 =	sadd.s32 $0xC00, s6  }
0xf: {  	s5 =	simm.s32 $0x115C0;
	[dreg:$0x4] =	wrdreg s31;
	s0 =	smax.u32 s0, $0x1  }
0x10: {  	v1 =	vadd.s32 $0x880, v0;
	v2 =	vadd.s32 $0x1100, v0;
	v3 =	vadd.s32 $0x1980, v0;
	s6 =	simm.s32 $0x2;
	s1 =	simm.s32 $0x0;
	[dreg:$0x5] =	wrdreg s0  }
.LBB2_1:
0x11: {  	[dreg:$0x6] =	wrdreg s1  }
0x12: {  	s0 =	rddreg [dreg:$0x4];
	s19 =	simm.s32 $0x1000;
	s31 =	simm.s32 $0x5  }
0x13: {  	[tilespmem:s3], [sflag:$0x5] =	stream.strided.gather [hbm4b:s0+s16], $0x6400, s19, s16, $0x38;
	[tilespmem:$0x11A00] =	vst v63  }
0x14: {  	_ =	swait.ge [sflag:s31], $0x6400  }
0x15: {  	[sflag:s31] =	ssyncset.done $0x0  }
0x16: {  	s17 =	simm.s32 $0x6400;
	s19 =	rddreg [dreg:$0x3];
	[sflag:s31] =	ssyncadd.s32 $0xFFFF9C00  }
0x17: {  	[tilespmem:s17], [sflag:$0x5] =	stream.linear.gather [hbm4b:s19+s3], $0x3200, $0x38;
	[tilespmem:$0x11A00] =	vst v63  }
0x18: {  	_ =	swait.ge [sflag:s31], $0x3200  }
0x19: {  	[sflag:s31] =	ssyncset.done $0x0  }
0x1a: {  	s30 =	simm.s32 $0x0;
	[sflag:s31] =	ssyncadd.s32 $0xFFFFCE00;
	s31 =	simm.s32 $0x9600  }
0x1b: {  	[tilespmem:s31], [sflag:$0x1] =	stream.indirect.gather [hbm4b:s4+s16], $0x40, s3, s16, $0xb8;
	[tilespmem:$0x11A00] =	vst v63  }
.LBB2_2:
0x1c: {  	s31 =	sshllo.u32 s30, $0x1  }
0x1d: {  	s0 =	sshll.u32 s31, $0x7  }
0x1e: {  	s1 =	simm.s32 $0xB600;
	s0 =	sand.u32 $0x3FFFFF80, s0  }
0x1f: {  	[tilespmem:s1], [sflag:$0x2] =	stream.indirect.gather [hbm4b:s4+s16], $0x40, s0, s16, $0xb8;
	[tilespmem:$0x11A00] =	vst v63  }
0x20: {  	_ =	swait.ge [sflag:s22], $0x2000  }
0x21: {  	p0 =	seq.s32 s30, $0x0;
	[sflag:s22] =	ssyncset.done $0x0  }
0x22: {  	s0 =	simm.s32 @!p0 $0x3;
	[sflag:s22] =	ssyncadd.s32 $0xFFFFE000  }
0x23: {  	_ =	swait.ge @!p0 [sflag:s0], $0x400  }
0x24: {  	[sflag:s0] =	ssyncset.done @!p0 $0x0  }
0x25: {  	[sflag:s0] =	ssyncadd.s32 @!p0 $0xFFFFFC00  }
0x26: {  	_ =	swait.ge @!p0 [sflag:s0], $0x400  }
0x27: {  	[sflag:s0] =	ssyncset.done @!p0 $0x0  }
0x28: {  	[sflag:s0] =	ssyncadd.s32 @!p0 $0xFFFFFC00  }
0x29: {  	_ =	swait.ge @!p0 [sflag:s0], $0x400  }
0x2a: {  	[sflag:s0] =	ssyncset.done @!p0 $0x0  }
0x2b: {  	[sflag:s0] =	ssyncadd.s32 @!p0 $0xFFFFFC00  }
0x2c: {  	_ =	swait.ge @!p0 [sflag:s0], $0x400  }
0x2d: {  	[sflag:s0] =	ssyncset.done @!p0 $0x0  }
0x2e: {  	[sflag:s0] =	ssyncadd.s32 @!p0 $0xFFFFFC00  }
0x2f: {  	_ =	swait.ge @!p0 [sflag:s0], $0x400  }
0x30: {  	[sflag:s0] =	ssyncset.done @!p0 $0x0  }
0x31: {  	[sflag:s0] =	ssyncadd.s32 @!p0 $0xFFFFFC00  }
0x32: {  	_ =	swait.ge @!p0 [sflag:s0], $0x400  }
0x33: {  	[sflag:s0] =	ssyncset.done @!p0 $0x0  }
0x34: {  	[sflag:s0] =	ssyncadd.s32 @!p0 $0xFFFFFC00  }
0x35: {  	_ =	swait.ge @!p0 [sflag:s0], $0x400  }
0x36: {  	[sflag:s0] =	ssyncset.done @!p0 $0x0  }
0x37: {  	[sflag:s0] =	ssyncadd.s32 @!p0 $0xFFFFFC00  }
0x38: {  	_ =	swait.ge @!p0 [sflag:s0], $0x400  }
0x39: {  	s17 =	sshll.u32 s30, $0x7;
	[sflag:s0] =	ssyncset.done @!p0 $0x0  }
0x3a: {  	s19 =	sand.u32 $0x3FFFFF80, s17;
	[sflag:s0] =	ssyncadd.s32 @!p0 $0xFFFFFC00  }
0x3b: {  	s17 =	simm.s32 $0x0;
	s1 =	simm.s32 $0x9680;
	v4 =	vld [tilespmem:s19+$0x6400]  }
0x3c: {  	v5 =	vmov s17;
	v7 =	vld [tilespmem:s1+$0xFFFFFF80]  }
0x3d: {  	v8 =	vand.u32 $0x7C, v5  }
0x3e: {  	v9 =	vadd.s32 v0, v8;
	_ =	sdelay $0x2  }
0x3f: {  	v5 =	vld [tilespmem:s19+$0x6410];
	v10 =	vadd.f32 v7, v4  }
0x40: {  	v6 =	vld [tilespmem:s19+$0x6420]  }
0x41: {  	v7 =	vld [tilespmem:s19+$0x6430];
	[tilespmem:v9+s23+$0x0] =	vst.idx.msk $0xffff, v10  }
0x42: {  	v9 =	vld [tilespmem:s1+$0xFFFFFF90];
	_ =	sdelay $0x1  }
0x43: {  	v10 =	vadd.s32 v1, v8;
	_ =	sdelay $0x2  }
0x44: {  	v9 =	vadd.f32 v9, v5;
	_ =	sdelay $0x1  }
0x45: {  	[tilespmem:v10+s23+$0x0] =	vst.idx.msk $0xffff, v9  }
0x46: {  	v9 =	vld [tilespmem:s1+$0xFFFFFFA0];
	_ =	sdelay $0x1  }
0x47: {  	v10 =	vadd.s32 v2, v8;
	_ =	sdelay $0x2  }
0x48: {  	v9 =	vadd.f32 v9, v6;
	_ =	sdelay $0x1  }
0x49: {  	[tilespmem:v10+s23+$0x0] =	vst.idx.msk $0xffff, v9  }
0x4a: {  	v9 =	vld [tilespmem:s1+$0xFFFFFFB0];
	_ =	sdelay $0x1  }
0x4b: {  	v8 =	vadd.s32 v3, v8;
	_ =	sdelay $0x2  }
0x4c: {  	v9 =	vadd.f32 v9, v7;
	_ =	sdelay $0x1  }
0x4d: {  	s19 =	simm.s32 $0x1;
	[tilespmem:v8+s23+$0x0] =	vst.idx.msk $0xffff, v9  }
0x4e: {  	v8 =	vmov s19;
	v9 =	vld [tilespmem:s1+$0xFFFFFFC0]  }
0x4f: {  	v8 =	vand.u32 $0x7D, v8  }
0x50: {  	v10 =	vadd.s32 v0, v8;
	_ =	sdelay $0x2  }
0x51: {  	v9 =	vadd.f32 v9, v4;
	_ =	sdelay $0x1  }
0x52: {  	[tilespmem:v10+s23+$0x0] =	vst.idx.msk $0xffff, v9  }
0x53: {  	v9 =	vld [tilespmem:s1+$0xFFFFFFD0];
	_ =	sdelay $0x1  }
0x54: {  	v10 =	vadd.s32 v1, v8;
	_ =	sdelay $0x2  }
0x55: {  	v9 =	vadd.f32 v9, v5;
	_ =	sdelay $0x1  }
0x56: {  	[tilespmem:v10+s23+$0x0] =	vst.idx.msk $0xffff, v9  }
0x57: {  	v9 =	vld [tilespmem:s1+$0xFFFFFFE0];
	_ =	sdelay $0x1  }
0x58: {  	v10 =	vadd.s32 v2, v8;
	_ =	sdelay $0x2  }
0x59: {  	v9 =	vadd.f32 v9, v6;
	_ =	sdelay $0x1  }
0x5a: {  	[tilespmem:v10+s23+$0x0] =	vst.idx.msk $0xffff, v9  }
0x5b: {  	v9 =	vld [tilespmem:s1+$0xFFFFFFF0];
	_ =	sdelay $0x1  }
0x5c: {  	v8 =	vadd.s32 v3, v8;
	_ =	sdelay $0x2  }
0x5d: {  	v9 =	vadd.f32 v9, v7;
	_ =	sdelay $0x1  }
0x5e: {  	s17 =	simm.s32 $0x2;
	[tilespmem:v8+s23+$0x0] =	vst.idx.msk $0xffff, v9  }
0x5f: {  	v8 =	vmov s17;
	v9 =	vld [tilespmem:s1+$0x0]  }
0x60: {  	v8 =	vand.u32 $0x7E, v8  }
0x61: {  	v10 =	vadd.s32 v0, v8;
	_ =	sdelay $0x2  }
0x62: {  	v9 =	vadd.f32 v9, v4;
	_ =	sdelay $0x1  }
0x63: {  	[tilespmem:v10+s23+$0x0] =	vst.idx.msk $0xffff, v9  }
0x64: {  	v9 =	vld [tilespmem:s1+$0x10];
	_ =	sdelay $0x1  }
0x65: {  	v10 =	vadd.s32 v1, v8;
	_ =	sdelay $0x2  }
0x66: {  	v9 =	vadd.f32 v9, v5;
	_ =	sdelay $0x1  }
0x67: {  	[tilespmem:v10+s23+$0x0] =	vst.idx.msk $0xffff, v9  }
0x68: {  	v9 =	vld [tilespmem:s1+$0x20];
	_ =	sdelay $0x1  }
0x69: {  	v10 =	vadd.s32 v2, v8;
	_ =	sdelay $0x2  }
0x6a: {  	v9 =	vadd.f32 v9, v6;
	_ =	sdelay $0x1  }
0x6b: {  	[tilespmem:v10+s23+$0x0] =	vst.idx.msk $0xffff, v9  }
0x6c: {  	v9 =	vld [tilespmem:s1+$0x30];
	_ =	sdelay $0x1  }
0x6d: {  	v8 =	vadd.s32 v3, v8;
	_ =	sdelay $0x2  }
0x6e: {  	v9 =	vadd.f32 v9, v7;
	_ =	sdelay $0x1  }
0x6f: {  	s19 =	simm.s32 $0x3;
	[tilespmem:v8+s23+$0x0] =	vst.idx.msk $0xffff, v9  }
0x70: {  	v8 =	vmov s19;
	v9 =	vld [tilespmem:s1+$0x40]  }
0x71: {  	v8 =	vand.u32 $0x7F, v8  }
0x72: {  	v10 =	vadd.s32 v0, v8;
	_ =	sdelay $0x2  }
0x73: {  	v9 =	vadd.f32 v9, v4;
	_ =	sdelay $0x1  }
0x74: {  	[tilespmem:v10+s23+$0x0] =	vst.idx.msk $0xffff, v9  }
0x75: {  	v9 =	vld [tilespmem:s1+$0x50];
	_ =	sdelay $0x1  }
0x76: {  	v10 =	vadd.s32 v1, v8;
	_ =	sdelay $0x2  }
0x77: {  	v9 =	vadd.f32 v9, v5;
	_ =	sdelay $0x1  }
0x78: {  	[tilespmem:v10+s23+$0x0] =	vst.idx.msk $0xffff, v9  }
0x79: {  	v9 =	vld [tilespmem:s1+$0x60];
	_ =	sdelay $0x1  }
0x7a: {  	v10 =	vadd.s32 v2, v8;
	_ =	sdelay $0x2  }
0x7b: {  	v9 =	vadd.f32 v9, v6;
	_ =	sdelay $0x1  }
0x7c: {  	[tilespmem:v10+s23+$0x0] =	vst.idx.msk $0xffff, v9  }
0x7d: {  	v9 =	vld [tilespmem:s1+$0x70];
	_ =	sdelay $0x1  }
0x7e: {  	v8 =	vadd.s32 v3, v8;
	_ =	sdelay $0x2  }
0x7f: {  	s0 =	simm.s32 $0x4;
	v9 =	vadd.f32 v9, v7  }
.LBB2_3:
0x80: {  	p1 =	slt.u32 s0, $0x7C  }
0x81: {  	s1 =	sadd.s32 $0x100, s1;
	s17 =	smov.u32 s0;
	s0 =	sadd.s32 $0x4, s0;
	[tilespmem:v8+s23+$0x0] =	vst.idx.msk $0xffff, v9  }
0x82: {  	v8 =	vmov s17;
	v9 =	vld [tilespmem:s1+$0xFFFFFF80]  }
0x83: {  	v8 =	vand.u32 $0x7C, v8  }
0x84: {  	v10 =	vadd.s32 v0, v8;
	_ =	sdelay $0x2  }
0x85: {  	v9 =	vadd.f32 v9, v4;
	_ =	sdelay $0x1  }
0x86: {  	[tilespmem:v10+s23+$0x0] =	vst.idx.msk $0xffff, v9  }
0x87: {  	v9 =	vld [tilespmem:s1+$0xFFFFFF90];
	_ =	sdelay $0x1  }
0x88: {  	v10 =	vadd.s32 v1, v8;
	_ =	sdelay $0x2  }
0x89: {  	v9 =	vadd.f32 v9, v5;
	_ =	sdelay $0x1  }
0x8a: {  	[tilespmem:v10+s23+$0x0] =	vst.idx.msk $0xffff, v9  }
0x8b: {  	v9 =	vld [tilespmem:s1+$0xFFFFFFA0];
	_ =	sdelay $0x1  }
0x8c: {  	v10 =	vadd.s32 v2, v8;
	_ =	sdelay $0x2  }
0x8d: {  	v9 =	vadd.f32 v9, v6;
	_ =	sdelay $0x1  }
0x8e: {  	[tilespmem:v10+s23+$0x0] =	vst.idx.msk $0xffff, v9  }
0x8f: {  	v9 =	vld [tilespmem:s1+$0xFFFFFFB0];
	_ =	sdelay $0x1  }
0x90: {  	v8 =	vadd.s32 v3, v8;
	_ =	sdelay $0x2  }
0x91: {  	v9 =	vadd.f32 v9, v7;
	_ =	sdelay $0x1  }
0x92: {  	s19 =	sadd.s32 $0x1, s17;
	[tilespmem:v8+s23+$0x0] =	vst.idx.msk $0xffff, v9  }
0x93: {  	v8 =	vmov s19;
	v9 =	vld [tilespmem:s1+$0xFFFFFFC0]  }
0x94: {  	v8 =	vand.u32 $0x7D, v8  }
0x95: {  	v10 =	vadd.s32 v0, v8;
	_ =	sdelay $0x2  }
0x96: {  	v9 =	vadd.f32 v9, v4;
	_ =	sdelay $0x1  }
0x97: {  	[tilespmem:v10+s23+$0x0] =	vst.idx.msk $0xffff, v9  }
0x98: {  	v9 =	vld [tilespmem:s1+$0xFFFFFFD0];
	_ =	sdelay $0x1  }
0x99: {  	v10 =	vadd.s32 v1, v8;
	_ =	sdelay $0x2  }
0x9a: {  	v9 =	vadd.f32 v9, v5;
	_ =	sdelay $0x1  }
0x9b: {  	[tilespmem:v10+s23+$0x0] =	vst.idx.msk $0xffff, v9  }
0x9c: {  	v9 =	vld [tilespmem:s1+$0xFFFFFFE0];
	_ =	sdelay $0x1  }
0x9d: {  	v10 =	vadd.s32 v2, v8;
	_ =	sdelay $0x2  }
0x9e: {  	v9 =	vadd.f32 v9, v6;
	_ =	sdelay $0x1  }
0x9f: {  	[tilespmem:v10+s23+$0x0] =	vst.idx.msk $0xffff, v9  }
0xa0: {  	v9 =	vld [tilespmem:s1+$0xFFFFFFF0];
	_ =	sdelay $0x1  }
0xa1: {  	v8 =	vadd.s32 v3, v8;
	_ =	sdelay $0x2  }
0xa2: {  	v9 =	vadd.f32 v9, v7;
	_ =	sdelay $0x1  }
0xa3: {  	s19 =	sadd.s32 $0x2, s17;
	[tilespmem:v8+s23+$0x0] =	vst.idx.msk $0xffff, v9  }
0xa4: {  	v8 =	vmov s19;
	v9 =	vld [tilespmem:s1+$0x0]  }
0xa5: {  	v8 =	vand.u32 $0x7E, v8  }
0xa6: {  	v10 =	vadd.s32 v0, v8;
	_ =	sdelay $0x2  }
0xa7: {  	v9 =	vadd.f32 v9, v4;
	_ =	sdelay $0x1  }
0xa8: {  	[tilespmem:v10+s23+$0x0] =	vst.idx.msk $0xffff, v9  }
0xa9: {  	v9 =	vld [tilespmem:s1+$0x10];
	_ =	sdelay $0x1  }
0xaa: {  	v10 =	vadd.s32 v1, v8;
	_ =	sdelay $0x2  }
0xab: {  	v9 =	vadd.f32 v9, v5;
	_ =	sdelay $0x1  }
0xac: {  	[tilespmem:v10+s23+$0x0] =	vst.idx.msk $0xffff, v9  }
0xad: {  	v9 =	vld [tilespmem:s1+$0x20];
	_ =	sdelay $0x1  }
0xae: {  	v10 =	vadd.s32 v2, v8;
	_ =	sdelay $0x2  }
0xaf: {  	v9 =	vadd.f32 v9, v6;
	_ =	sdelay $0x1  }
0xb0: {  	[tilespmem:v10+s23+$0x0] =	vst.idx.msk $0xffff, v9  }
0xb1: {  	v9 =	vld [tilespmem:s1+$0x30];
	_ =	sdelay $0x1  }
0xb2: {  	v8 =	vadd.s32 v3, v8;
	_ =	sdelay $0x2  }
0xb3: {  	v9 =	vadd.f32 v9, v7;
	_ =	sdelay $0x1  }
0xb4: {  	s17 =	sadd.s32 $0x3, s17;
	[tilespmem:v8+s23+$0x0] =	vst.idx.msk $0xffff, v9  }
0xb5: {  	v8 =	vmov s17;
	v9 =	vld [tilespmem:s1+$0x40]  }
0xb6: {  	v8 =	vand.u32 $0x7F, v8  }
0xb7: {  	v10 =	vadd.s32 v0, v8;
	_ =	sdelay $0x2  }
0xb8: {  	v9 =	vadd.f32 v9, v4;
	_ =	sdelay $0x1  }
0xb9: {  	[tilespmem:v10+s23+$0x0] =	vst.idx.msk $0xffff, v9  }
0xba: {  	v9 =	vld [tilespmem:s1+$0x50];
	_ =	sdelay $0x1  }
0xbb: {  	v10 =	vadd.s32 v1, v8;
	_ =	sdelay $0x2  }
0xbc: {  	v9 =	vadd.f32 v9, v5;
	_ =	sdelay $0x1  }
0xbd: {  	[tilespmem:v10+s23+$0x0] =	vst.idx.msk $0xffff, v9  }
0xbe: {  	v9 =	vld [tilespmem:s1+$0x60];
	_ =	sdelay $0x1  }
0xbf: {  	v10 =	vadd.s32 v2, v8;
	_ =	sdelay $0x2  }
0xc0: {  	v9 =	vadd.f32 v9, v6;
	_ =	sdelay $0x1  }
0xc1: {  	[tilespmem:v10+s23+$0x0] =	vst.idx.msk $0xffff, v9  }
0xc2: {  	v9 =	vld [tilespmem:s1+$0x70]  }
.Ltmp0:
0xc3: {  	(pc) =	sbr.rel @p1 .LBB2_3-.Ltmp0, $2  }
0xc4: {  	v8 =	vadd.s32 v3, v8;
	_ =	sdelay $0x2  }
0xc5: {  	v9 =	vadd.f32 v9, v7  }
0xc6: {  	_ = 	snop  }
0xc7: {  	s0 =	sshll.u32 s30, $0x13  }
0xc8: {  	s0 =	sor.u32 s7, s0  }
0xc9: {  	s0 =	sshrl.u32 s0, $0x3  }
0xca: {  	[tilespmem:v8+s23+$0x0] =	vst.idx.msk $0xffff, v9;
	s1 =	sadd.s32 s2, s0  }
0xcb: {  	[hbm4b:s1+s3] =	stream.linear.scatter [tilespmem:s23], [sflag:$0x3], $0x80, $0x38;
	[tilespmem:$0x11A00] =	vst v63  }
0xcc: {  	s19 =	simm.s32 $0xD688;
	s17 =	sadd.s32 $0x10, s1  }
0xcd: {  	[hbm4b:s17+s3] =	stream.linear.scatter [tilespmem:s19], [sflag:$0x3], $0x80, $0x38;
	[tilespmem:$0x11A00] =	vst v63  }
0xce: {  	s17 =	sadd.s32 $0x20, s1;
	s19 =	simm.s32 $0xD710  }
0xcf: {  	[hbm4b:s17+s3] =	stream.linear.scatter [tilespmem:s19], [sflag:$0x3], $0x80, $0x38;
	[tilespmem:$0x11A00] =	vst v63  }
0xd0: {  	s17 =	sadd.s32 $0x30, s1;
	s19 =	simm.s32 $0xD798  }
0xd1: {  	[hbm4b:s17+s3] =	stream.linear.scatter [tilespmem:s19], [sflag:$0x3], $0x80, $0x38;
	[tilespmem:$0x11A00] =	vst v63  }
0xd2: {  	s17 =	sadd.s32 $0x40, s1;
	s19 =	simm.s32 $0xD820  }
0xd3: {  	[hbm4b:s17+s3] =	stream.linear.scatter [tilespmem:s19], [sflag:$0x3], $0x80, $0x38;
	[tilespmem:$0x11A00] =	vst v63  }
0xd4: {  	s17 =	sadd.s32 $0x50, s1;
	s19 =	simm.s32 $0xD8A8  }
0xd5: {  	[hbm4b:s17+s3] =	stream.linear.scatter [tilespmem:s19], [sflag:$0x3], $0x80, $0x38;
	[tilespmem:$0x11A00] =	vst v63  }
0xd6: {  	s17 =	sadd.s32 $0x60, s1;
	s19 =	simm.s32 $0xD930  }
0xd7: {  	[hbm4b:s17+s3] =	stream.linear.scatter [tilespmem:s19], [sflag:$0x3], $0x80, $0x38;
	[tilespmem:$0x11A00] =	vst v63  }
0xd8: {  	s1 =	sadd.s32 $0x70, s1;
	s19 =	simm.s32 $0xD9B8  }
0xd9: {  	[hbm4b:s1+s3] =	stream.linear.scatter [tilespmem:s19], [sflag:$0x3], $0x80, $0x38;
	[tilespmem:$0x11A00] =	vst v63  }
0xda: {  	s1 =	sadd.s32 s0, s8;
	s19 =	simm.s32 $0xDA40  }
0xdb: {  	[hbm4b:s1+s3] =	stream.linear.scatter [tilespmem:s19], [sflag:$0x3], $0x80, $0x38;
	[tilespmem:$0x11A00] =	vst v63  }
0xdc: {  	s17 =	sadd.s32 $0x10, s1;
	s19 =	simm.s32 $0xDAC8  }
0xdd: {  	[hbm4b:s17+s3] =	stream.linear.scatter [tilespmem:s19], [sflag:$0x3], $0x80, $0x38;
	[tilespmem:$0x11A00] =	vst v63  }
0xde: {  	s17 =	sadd.s32 $0x20, s1;
	s19 =	simm.s32 $0xDB50  }
0xdf: {  	[hbm4b:s17+s3] =	stream.linear.scatter [tilespmem:s19], [sflag:$0x3], $0x80, $0x38;
	[tilespmem:$0x11A00] =	vst v63  }
0xe0: {  	s17 =	sadd.s32 $0x30, s1;
	s19 =	simm.s32 $0xDBD8  }
0xe1: {  	[hbm4b:s17+s3] =	stream.linear.scatter [tilespmem:s19], [sflag:$0x3], $0x80, $0x38;
	[tilespmem:$0x11A00] =	vst v63  }
0xe2: {  	s17 =	sadd.s32 $0x40, s1;
	s19 =	simm.s32 $0xDC60  }
0xe3: {  	[hbm4b:s17+s3] =	stream.linear.scatter [tilespmem:s19], [sflag:$0x3], $0x80, $0x38;
	[tilespmem:$0x11A00] =	vst v63  }
0xe4: {  	s17 =	sadd.s32 $0x50, s1;
	s19 =	simm.s32 $0xDCE8  }
0xe5: {  	[hbm4b:s17+s3] =	stream.linear.scatter [tilespmem:s19], [sflag:$0x3], $0x80, $0x38;
	[tilespmem:$0x11A00] =	vst v63  }
0xe6: {  	s17 =	sadd.s32 $0x60, s1;
	s19 =	simm.s32 $0xDD70  }
0xe7: {  	[hbm4b:s17+s3] =	stream.linear.scatter [tilespmem:s19], [sflag:$0x3], $0x80, $0x38;
	[tilespmem:$0x11A00] =	vst v63  }
0xe8: {  	s1 =	sadd.s32 $0x70, s1;
	s19 =	simm.s32 $0xDDF8  }
0xe9: {  	[hbm4b:s1+s3] =	stream.linear.scatter [tilespmem:s19], [sflag:$0x3], $0x80, $0x38;
	[tilespmem:$0x11A00] =	vst v63  }
0xea: {  	s1 =	sadd.s32 s0, s9;
	s19 =	simm.s32 $0xDE80  }
0xeb: {  	[hbm4b:s1+s3] =	stream.linear.scatter [tilespmem:s19], [sflag:$0x3], $0x80, $0x38;
	[tilespmem:$0x11A00] =	vst v63  }
0xec: {  	s17 =	sadd.s32 $0x10, s1;
	s19 =	simm.s32 $0xDF08  }
0xed: {  	[hbm4b:s17+s3] =	stream.linear.scatter [tilespmem:s19], [sflag:$0x3], $0x80, $0x38;
	[tilespmem:$0x11A00] =	vst v63  }
0xee: {  	s17 =	sadd.s32 $0x20, s1;
	s19 =	simm.s32 $0xDF90  }
0xef: {  	[hbm4b:s17+s3] =	stream.linear.scatter [tilespmem:s19], [sflag:$0x3], $0x80, $0x38;
	[tilespmem:$0x11A00] =	vst v63  }
0xf0: {  	s17 =	sadd.s32 $0x30, s1;
	s19 =	simm.s32 $0xE018  }
0xf1: {  	[hbm4b:s17+s3] =	stream.linear.scatter [tilespmem:s19], [sflag:$0x3], $0x80, $0x38;
	[tilespmem:$0x11A00] =	vst v63  }
0xf2: {  	s17 =	sadd.s32 $0x40, s1;
	s19 =	simm.s32 $0xE0A0  }
0xf3: {  	[hbm4b:s17+s3] =	stream.linear.scatter [tilespmem:s19], [sflag:$0x3], $0x80, $0x38;
	[tilespmem:$0x11A00] =	vst v63  }
0xf4: {  	s17 =	sadd.s32 $0x50, s1;
	s19 =	simm.s32 $0xE128  }
0xf5: {  	[hbm4b:s17+s3] =	stream.linear.scatter [tilespmem:s19], [sflag:$0x3], $0x80, $0x38;
	[tilespmem:$0x11A00] =	vst v63  }
0xf6: {  	s17 =	sadd.s32 $0x60, s1;
	s19 =	simm.s32 $0xE1B0  }
0xf7: {  	[hbm4b:s17+s3] =	stream.linear.scatter [tilespmem:s19], [sflag:$0x3], $0x80, $0x38;
	[tilespmem:$0x11A00] =	vst v63  }
0xf8: {  	s1 =	sadd.s32 $0x70, s1;
	s19 =	simm.s32 $0xE238  }
0xf9: {  	[hbm4b:s1+s3] =	stream.linear.scatter [tilespmem:s19], [sflag:$0x3], $0x80, $0x38;
	[tilespmem:$0x11A00] =	vst v63  }
0xfa: {  	s1 =	sadd.s32 s0, s10;
	s19 =	simm.s32 $0xE2C0  }
0xfb: {  	[hbm4b:s1+s3] =	stream.linear.scatter [tilespmem:s19], [sflag:$0x3], $0x80, $0x38;
	[tilespmem:$0x11A00] =	vst v63  }
0xfc: {  	s17 =	sadd.s32 $0x10, s1;
	s19 =	simm.s32 $0xE348  }
0xfd: {  	[hbm4b:s17+s3] =	stream.linear.scatter [tilespmem:s19], [sflag:$0x3], $0x80, $0x38;
	[tilespmem:$0x11A00] =	vst v63  }
0xfe: {  	s17 =	sadd.s32 $0x20, s1;
	s19 =	simm.s32 $0xE3D0  }
0xff: {  	[hbm4b:s17+s3] =	stream.linear.scatter [tilespmem:s19], [sflag:$0x3], $0x80, $0x38;
	[tilespmem:$0x11A00] =	vst v63  }
0x100: {  	s17 =	sadd.s32 $0x30, s1;
	s19 =	simm.s32 $0xE458  }
0x101: {  	[hbm4b:s17+s3] =	stream.linear.scatter [tilespmem:s19], [sflag:$0x3], $0x80, $0x38;
	[tilespmem:$0x11A00] =	vst v63  }
0x102: {  	s17 =	sadd.s32 $0x40, s1;
	s19 =	simm.s32 $0xE4E0  }
0x103: {  	[hbm4b:s17+s3] =	stream.linear.scatter [tilespmem:s19], [sflag:$0x3], $0x80, $0x38;
	[tilespmem:$0x11A00] =	vst v63  }
0x104: {  	s17 =	sadd.s32 $0x50, s1;
	s19 =	simm.s32 $0xE568  }
0x105: {  	[hbm4b:s17+s3] =	stream.linear.scatter [tilespmem:s19], [sflag:$0x3], $0x80, $0x38;
	[tilespmem:$0x11A00] =	vst v63  }
0x106: {  	s17 =	sadd.s32 $0x60, s1;
	s19 =	simm.s32 $0xE5F0  }
0x107: {  	[hbm4b:s17+s3] =	stream.linear.scatter [tilespmem:s19], [sflag:$0x3], $0x80, $0x38;
	[tilespmem:$0x11A00] =	vst v63  }
0x108: {  	s1 =	sadd.s32 $0x70, s1;
	s19 =	simm.s32 $0xE678  }
0x109: {  	[hbm4b:s1+s3] =	stream.linear.scatter [tilespmem:s19], [sflag:$0x3], $0x80, $0x38;
	[tilespmem:$0x11A00] =	vst v63  }
0x10a: {  	s1 =	sadd.s32 s0, s11;
	s19 =	simm.s32 $0xE700  }
0x10b: {  	[hbm4b:s1+s3] =	stream.linear.scatter [tilespmem:s19], [sflag:$0x3], $0x80, $0x38;
	[tilespmem:$0x11A00] =	vst v63  }
0x10c: {  	s17 =	sadd.s32 $0x10, s1;
	s19 =	simm.s32 $0xE788  }
0x10d: {  	[hbm4b:s17+s3] =	stream.linear.scatter [tilespmem:s19], [sflag:$0x3], $0x80, $0x38;
	[tilespmem:$0x11A00] =	vst v63  }
0x10e: {  	s17 =	sadd.s32 $0x20, s1;
	s19 =	simm.s32 $0xE810  }
0x10f: {  	[hbm4b:s17+s3] =	stream.linear.scatter [tilespmem:s19], [sflag:$0x3], $0x80, $0x38;
	[tilespmem:$0x11A00] =	vst v63  }
0x110: {  	s17 =	sadd.s32 $0x30, s1;
	s19 =	simm.s32 $0xE898  }
0x111: {  	[hbm4b:s17+s3] =	stream.linear.scatter [tilespmem:s19], [sflag:$0x3], $0x80, $0x38;
	[tilespmem:$0x11A00] =	vst v63  }
0x112: {  	s17 =	sadd.s32 $0x40, s1;
	s19 =	simm.s32 $0xE920  }
0x113: {  	[hbm4b:s17+s3] =	stream.linear.scatter [tilespmem:s19], [sflag:$0x3], $0x80, $0x38;
	[tilespmem:$0x11A00] =	vst v63  }
0x114: {  	s17 =	sadd.s32 $0x50, s1;
	s19 =	simm.s32 $0xE9A8  }
0x115: {  	[hbm4b:s17+s3] =	stream.linear.scatter [tilespmem:s19], [sflag:$0x3], $0x80, $0x38;
	[tilespmem:$0x11A00] =	vst v63  }
0x116: {  	s17 =	sadd.s32 $0x60, s1;
	s19 =	simm.s32 $0xEA30  }
0x117: {  	[hbm4b:s17+s3] =	stream.linear.scatter [tilespmem:s19], [sflag:$0x3], $0x80, $0x38;
	[tilespmem:$0x11A00] =	vst v63  }
0x118: {  	s1 =	sadd.s32 $0x70, s1;
	s19 =	simm.s32 $0xEAB8  }
0x119: {  	[hbm4b:s1+s3] =	stream.linear.scatter [tilespmem:s19], [sflag:$0x3], $0x80, $0x38;
	[tilespmem:$0x11A00] =	vst v63  }
0x11a: {  	s1 =	sadd.s32 s0, s12;
	s19 =	simm.s32 $0xEB40  }
0x11b: {  	[hbm4b:s1+s3] =	stream.linear.scatter [tilespmem:s19], [sflag:$0x3], $0x80, $0x38;
	[tilespmem:$0x11A00] =	vst v63  }
0x11c: {  	s17 =	sadd.s32 $0x10, s1;
	s19 =	simm.s32 $0xEBC8  }
0x11d: {  	[hbm4b:s17+s3] =	stream.linear.scatter [tilespmem:s19], [sflag:$0x3], $0x80, $0x38;
	[tilespmem:$0x11A00] =	vst v63  }
0x11e: {  	s17 =	sadd.s32 $0x20, s1;
	s19 =	simm.s32 $0xEC50  }
0x11f: {  	[hbm4b:s17+s3] =	stream.linear.scatter [tilespmem:s19], [sflag:$0x3], $0x80, $0x38;
	[tilespmem:$0x11A00] =	vst v63  }
0x120: {  	s17 =	sadd.s32 $0x30, s1;
	s19 =	simm.s32 $0xECD8  }
0x121: {  	[hbm4b:s17+s3] =	stream.linear.scatter [tilespmem:s19], [sflag:$0x3], $0x80, $0x38;
	[tilespmem:$0x11A00] =	vst v63  }
0x122: {  	s17 =	sadd.s32 $0x40, s1;
	s19 =	simm.s32 $0xED60  }
0x123: {  	[hbm4b:s17+s3] =	stream.linear.scatter [tilespmem:s19], [sflag:$0x3], $0x80, $0x38;
	[tilespmem:$0x11A00] =	vst v63  }
0x124: {  	s17 =	sadd.s32 $0x50, s1;
	s19 =	simm.s32 $0xEDE8  }
0x125: {  	[hbm4b:s17+s3] =	stream.linear.scatter [tilespmem:s19], [sflag:$0x3], $0x80, $0x38;
	[tilespmem:$0x11A00] =	vst v63  }
0x126: {  	s17 =	sadd.s32 $0x60, s1;
	s19 =	simm.s32 $0xEE70  }
0x127: {  	[hbm4b:s17+s3] =	stream.linear.scatter [tilespmem:s19], [sflag:$0x3], $0x80, $0x38;
	[tilespmem:$0x11A00] =	vst v63  }
0x128: {  	s1 =	sadd.s32 $0x70, s1;
	s19 =	simm.s32 $0xEEF8  }
0x129: {  	[hbm4b:s1+s3] =	stream.linear.scatter [tilespmem:s19], [sflag:$0x3], $0x80, $0x38;
	[tilespmem:$0x11A00] =	vst v63  }
0x12a: {  	s1 =	sadd.s32 s0, s13;
	s19 =	simm.s32 $0xEF80  }
0x12b: {  	[hbm4b:s1+s3] =	stream.linear.scatter [tilespmem:s19], [sflag:$0x3], $0x80, $0x38;
	[tilespmem:$0x11A00] =	vst v63  }
0x12c: {  	s17 =	sadd.s32 $0x10, s1;
	s19 =	simm.s32 $0xF008  }
0x12d: {  	[hbm4b:s17+s3] =	stream.linear.scatter [tilespmem:s19], [sflag:$0x3], $0x80, $0x38;
	[tilespmem:$0x11A00] =	vst v63  }
0x12e: {  	s17 =	sadd.s32 $0x20, s1;
	s19 =	simm.s32 $0xF090  }
0x12f: {  	[hbm4b:s17+s3] =	stream.linear.scatter [tilespmem:s19], [sflag:$0x3], $0x80, $0x38;
	[tilespmem:$0x11A00] =	vst v63  }
0x130: {  	s17 =	sadd.s32 $0x30, s1;
	s19 =	simm.s32 $0xF118  }
0x131: {  	[hbm4b:s17+s3] =	stream.linear.scatter [tilespmem:s19], [sflag:$0x3], $0x80, $0x38;
	[tilespmem:$0x11A00] =	vst v63  }
0x132: {  	s17 =	sadd.s32 $0x40, s1;
	s19 =	simm.s32 $0xF1A0  }
0x133: {  	[hbm4b:s17+s3] =	stream.linear.scatter [tilespmem:s19], [sflag:$0x3], $0x80, $0x38;
	[tilespmem:$0x11A00] =	vst v63  }
0x134: {  	s17 =	sadd.s32 $0x50, s1;
	s19 =	simm.s32 $0xF228  }
0x135: {  	[hbm4b:s17+s3] =	stream.linear.scatter [tilespmem:s19], [sflag:$0x3], $0x80, $0x38;
	[tilespmem:$0x11A00] =	vst v63  }
0x136: {  	s17 =	sadd.s32 $0x60, s1;
	s19 =	simm.s32 $0xF2B0  }
0x137: {  	[hbm4b:s17+s3] =	stream.linear.scatter [tilespmem:s19], [sflag:$0x3], $0x80, $0x38;
	[tilespmem:$0x11A00] =	vst v63  }
0x138: {  	s1 =	sadd.s32 $0x70, s1;
	s19 =	simm.s32 $0xF338  }
0x139: {  	[hbm4b:s1+s3] =	stream.linear.scatter [tilespmem:s19], [sflag:$0x3], $0x80, $0x38;
	[tilespmem:$0x11A00] =	vst v63  }
0x13a: {  	s0 =	sadd.s32 s0, s14;
	s19 =	simm.s32 $0xF3C0  }
0x13b: {  	[hbm4b:s0+s3] =	stream.linear.scatter [tilespmem:s19], [sflag:$0x3], $0x80, $0x38;
	[tilespmem:$0x11A00] =	vst v63  }
0x13c: {  	s17 =	sadd.s32 $0x10, s0;
	s19 =	simm.s32 $0xF448  }
0x13d: {  	[hbm4b:s17+s3] =	stream.linear.scatter [tilespmem:s19], [sflag:$0x3], $0x80, $0x38;
	[tilespmem:$0x11A00] =	vst v63  }
0x13e: {  	s17 =	sadd.s32 $0x20, s0;
	s19 =	simm.s32 $0xF4D0  }
0x13f: {  	[hbm4b:s17+s3] =	stream.linear.scatter [tilespmem:s19], [sflag:$0x3], $0x80, $0x38;
	[tilespmem:$0x11A00] =	vst v63  }
0x140: {  	s17 =	sadd.s32 $0x30, s0;
	s19 =	simm.s32 $0xF558  }
0x141: {  	[hbm4b:s17+s3] =	stream.linear.scatter [tilespmem:s19], [sflag:$0x3], $0x80, $0x38;
	[tilespmem:$0x11A00] =	vst v63  }
0x142: {  	s17 =	sadd.s32 $0x40, s0;
	s19 =	simm.s32 $0xF5E0  }
0x143: {  	[hbm4b:s17+s3] =	stream.linear.scatter [tilespmem:s19], [sflag:$0x3], $0x80, $0x38;
	[tilespmem:$0x11A00] =	vst v63  }
0x144: {  	p1 =	sne.s32 s30, $0x63;
	s17 =	sadd.s32 $0x50, s0;
	s19 =	simm.s32 $0xF668  }
0x145: {  	[hbm4b:s17+s3] =	stream.linear.scatter [tilespmem:s19], [sflag:$0x3], $0x80, $0x38;
	[tilespmem:$0x11A00] =	vst v63  }
.Ltmp1:
0x146: {  	_ = 	snop;
	(pc) =	sbr.rel @p1 .LBB2_6-.Ltmp1, $4  }
0x147: {  	s17 =	sadd.s32 $0x60, s0;
	s19 =	simm.s32 $0xF6F0  }
0x148: {  	[hbm4b:s17+s3] =	stream.linear.scatter [tilespmem:s19], [sflag:$0x3], $0x80, $0x38;
	[tilespmem:$0x11A00] =	vst v63  }
0x149: {  	s0 =	sadd.s32 $0x70, s0;
	s19 =	simm.s32 $0xF778  }
0x14a: {  	[hbm4b:s0+s3] =	stream.linear.scatter [tilespmem:s19], [sflag:$0x3], $0x80, $0x38;
	[tilespmem:$0x11A00] =	vst v63  }
.Ltmp2:
0x14b: {  	(pc) =	sbr.rel .LBB2_7-.Ltmp2, $4  }
0x14c: {  	_ = 	snop  }
0x14d: {  	_ =	swait.ge [sflag:s6], $0x2000  }
0x14e: {  	[sflag:s6] =	ssyncset.done $0x0  }
0x14f: {  	[sflag:s6] =	ssyncadd.s32 $0xFFFFE000  }
.LBB2_6:
0x150: {  	s0 =	sshll.u32 s30, $0x8  }
0x151: {  	s0 =	sand.u32 $0x3FFFFF00, s0  }
.Ltmp3:
0x152: {  	s1 =	simm.s32 $0x9600;
	s0 =	sadd.s32 $0x100, s0;
	(pc) =	sbr.rel @p0 .LBB2_8-.Ltmp3, $4  }
0x153: {  	[tilespmem:s1], [sflag:$0x1] =	stream.indirect.gather [hbm4b:s4+s16], $0x40, s0, s16, $0xb8;
	[tilespmem:$0x11A00] =	vst v63  }
0x154: {  	_ =	swait.ge [sflag:s6], $0x2000  }
0x155: {  	[sflag:s6] =	ssyncset.done $0x0  }
0x156: {  	[sflag:s6] =	ssyncadd.s32 $0xFFFFE000  }
.LBB2_7:
0x157: {  	_ =	swait.ge [sflag:s15], $0x400  }
0x158: {  	[sflag:s15] =	ssyncset.done $0x0  }
0x159: {  	[sflag:s15] =	ssyncadd.s32 $0xFFFFFC00  }
0x15a: {  	_ =	swait.ge [sflag:s15], $0x400  }
0x15b: {  	[sflag:s15] =	ssyncset.done $0x0  }
0x15c: {  	[sflag:s15] =	ssyncadd.s32 $0xFFFFFC00  }
0x15d: {  	_ =	swait.ge [sflag:s15], $0x400  }
0x15e: {  	[sflag:s15] =	ssyncset.done $0x0  }
0x15f: {  	[sflag:s15] =	ssyncadd.s32 $0xFFFFFC00  }
0x160: {  	_ =	swait.ge [sflag:s15], $0x400  }
0x161: {  	[sflag:s15] =	ssyncset.done $0x0  }
0x162: {  	[sflag:s15] =	ssyncadd.s32 $0xFFFFFC00  }
0x163: {  	_ =	swait.ge [sflag:s15], $0x400  }
0x164: {  	[sflag:s15] =	ssyncset.done $0x0  }
0x165: {  	[sflag:s15] =	ssyncadd.s32 $0xFFFFFC00  }
0x166: {  	_ =	swait.ge [sflag:s15], $0x400  }
0x167: {  	[sflag:s15] =	ssyncset.done $0x0  }
0x168: {  	[sflag:s15] =	ssyncadd.s32 $0xFFFFFC00  }
0x169: {  	_ =	swait.ge [sflag:s15], $0x400  }
0x16a: {  	[sflag:s15] =	ssyncset.done $0x0  }
0x16b: {  	[sflag:s15] =	ssyncadd.s32 $0xFFFFFC00  }
0x16c: {  	_ =	swait.ge [sflag:s15], $0x400  }
0x16d: {  	[sflag:s15] =	ssyncset.done $0x0  }
0x16e: {  	[sflag:s15] =	ssyncadd.s32 $0xFFFFFC00  }
.LBB2_8:
0x16f: {  	s0 =	sshll.u32 s31, $0x6;
	s1 =	simm.s32 $0xB680  }
0x170: {  	s17 =	simm.s32 $0x0;
	s0 =	sand.u32 $0x3FFFFFC0, s0;
	v7 =	vld [tilespmem:s1+$0xFFFFFF80]  }
0x171: {  	v5 =	vmov s17;
	v4 =	vld [tilespmem:s0+$0x6400]  }
0x172: {  	v8 =	vand.u32 $0x7C, v5  }
0x173: {  	v9 =	vadd.s32 v0, v8;
	_ =	sdelay $0x2  }
0x174: {  	v5 =	vld [tilespmem:s0+$0x6410];
	v10 =	vadd.f32 v7, v4  }
0x175: {  	v6 =	vld [tilespmem:s0+$0x6420]  }
0x176: {  	v7 =	vld [tilespmem:s0+$0x6430];
	[tilespmem:v9+s18+$0x0] =	vst.idx.msk $0xffff, v10  }
0x177: {  	v9 =	vld [tilespmem:s1+$0xFFFFFF90];
	_ =	sdelay $0x1  }
0x178: {  	v10 =	vadd.s32 v1, v8;
	_ =	sdelay $0x2  }
0x179: {  	v9 =	vadd.f32 v9, v5;
	_ =	sdelay $0x1  }
0x17a: {  	[tilespmem:v10+s18+$0x0] =	vst.idx.msk $0xffff, v9  }
0x17b: {  	v9 =	vld [tilespmem:s1+$0xFFFFFFA0];
	_ =	sdelay $0x1  }
0x17c: {  	v10 =	vadd.s32 v2, v8;
	_ =	sdelay $0x2  }
0x17d: {  	v9 =	vadd.f32 v9, v6;
	_ =	sdelay $0x1  }
0x17e: {  	[tilespmem:v10+s18+$0x0] =	vst.idx.msk $0xffff, v9  }
0x17f: {  	v9 =	vld [tilespmem:s1+$0xFFFFFFB0];
	_ =	sdelay $0x1  }
0x180: {  	v8 =	vadd.s32 v3, v8;
	_ =	sdelay $0x2  }
0x181: {  	v9 =	vadd.f32 v9, v7;
	_ =	sdelay $0x1  }
0x182: {  	s19 =	simm.s32 $0x1;
	[tilespmem:v8+s18+$0x0] =	vst.idx.msk $0xffff, v9  }
0x183: {  	v8 =	vmov s19;
	v9 =	vld [tilespmem:s1+$0xFFFFFFC0]  }
0x184: {  	v8 =	vand.u32 $0x7D, v8  }
0x185: {  	v10 =	vadd.s32 v0, v8;
	_ =	sdelay $0x2  }
0x186: {  	v9 =	vadd.f32 v9, v4;
	_ =	sdelay $0x1  }
0x187: {  	[tilespmem:v10+s18+$0x0] =	vst.idx.msk $0xffff, v9  }
0x188: {  	v9 =	vld [tilespmem:s1+$0xFFFFFFD0];
	_ =	sdelay $0x1  }
0x189: {  	v10 =	vadd.s32 v1, v8;
	_ =	sdelay $0x2  }
0x18a: {  	v9 =	vadd.f32 v9, v5;
	_ =	sdelay $0x1  }
0x18b: {  	[tilespmem:v10+s18+$0x0] =	vst.idx.msk $0xffff, v9  }
0x18c: {  	v9 =	vld [tilespmem:s1+$0xFFFFFFE0];
	_ =	sdelay $0x1  }
0x18d: {  	v10 =	vadd.s32 v2, v8;
	_ =	sdelay $0x2  }
0x18e: {  	v9 =	vadd.f32 v9, v6;
	_ =	sdelay $0x1  }
0x18f: {  	[tilespmem:v10+s18+$0x0] =	vst.idx.msk $0xffff, v9  }
0x190: {  	v9 =	vld [tilespmem:s1+$0xFFFFFFF0];
	_ =	sdelay $0x1  }
0x191: {  	v8 =	vadd.s32 v3, v8;
	_ =	sdelay $0x2  }
0x192: {  	v9 =	vadd.f32 v9, v7;
	_ =	sdelay $0x1  }
0x193: {  	s17 =	simm.s32 $0x2;
	[tilespmem:v8+s18+$0x0] =	vst.idx.msk $0xffff, v9  }
0x194: {  	v8 =	vmov s17;
	v9 =	vld [tilespmem:s1+$0x0]  }
0x195: {  	v8 =	vand.u32 $0x7E, v8  }
0x196: {  	v10 =	vadd.s32 v0, v8;
	_ =	sdelay $0x2  }
0x197: {  	v9 =	vadd.f32 v9, v4;
	_ =	sdelay $0x1  }
0x198: {  	[tilespmem:v10+s18+$0x0] =	vst.idx.msk $0xffff, v9  }
0x199: {  	v9 =	vld [tilespmem:s1+$0x10];
	_ =	sdelay $0x1  }
0x19a: {  	v10 =	vadd.s32 v1, v8;
	_ =	sdelay $0x2  }
0x19b: {  	v9 =	vadd.f32 v9, v5;
	_ =	sdelay $0x1  }
0x19c: {  	[tilespmem:v10+s18+$0x0] =	vst.idx.msk $0xffff, v9  }
0x19d: {  	v9 =	vld [tilespmem:s1+$0x20];
	_ =	sdelay $0x1  }
0x19e: {  	v10 =	vadd.s32 v2, v8;
	_ =	sdelay $0x2  }
0x19f: {  	v9 =	vadd.f32 v9, v6;
	_ =	sdelay $0x1  }
0x1a0: {  	[tilespmem:v10+s18+$0x0] =	vst.idx.msk $0xffff, v9  }
0x1a1: {  	v9 =	vld [tilespmem:s1+$0x30];
	_ =	sdelay $0x1  }
0x1a2: {  	v8 =	vadd.s32 v3, v8;
	_ =	sdelay $0x2  }
0x1a3: {  	v9 =	vadd.f32 v9, v7;
	_ =	sdelay $0x1  }
0x1a4: {  	s19 =	simm.s32 $0x3;
	[tilespmem:v8+s18+$0x0] =	vst.idx.msk $0xffff, v9  }
0x1a5: {  	v8 =	vmov s19;
	v9 =	vld [tilespmem:s1+$0x40]  }
0x1a6: {  	v8 =	vand.u32 $0x7F, v8  }
0x1a7: {  	v10 =	vadd.s32 v0, v8;
	_ =	sdelay $0x2  }
0x1a8: {  	v9 =	vadd.f32 v9, v4;
	_ =	sdelay $0x1  }
0x1a9: {  	[tilespmem:v10+s18+$0x0] =	vst.idx.msk $0xffff, v9  }
0x1aa: {  	v9 =	vld [tilespmem:s1+$0x50];
	_ =	sdelay $0x1  }
0x1ab: {  	v10 =	vadd.s32 v1, v8;
	_ =	sdelay $0x2  }
0x1ac: {  	v9 =	vadd.f32 v9, v5;
	_ =	sdelay $0x1  }
0x1ad: {  	[tilespmem:v10+s18+$0x0] =	vst.idx.msk $0xffff, v9  }
0x1ae: {  	v9 =	vld [tilespmem:s1+$0x60];
	_ =	sdelay $0x1  }
0x1af: {  	v10 =	vadd.s32 v2, v8;
	_ =	sdelay $0x2  }
0x1b0: {  	v9 =	vadd.f32 v9, v6;
	_ =	sdelay $0x1  }
0x1b1: {  	[tilespmem:v10+s18+$0x0] =	vst.idx.msk $0xffff, v9  }
0x1b2: {  	v9 =	vld [tilespmem:s1+$0x70];
	_ =	sdelay $0x1  }
0x1b3: {  	v8 =	vadd.s32 v3, v8;
	_ =	sdelay $0x2  }
0x1b4: {  	s0 =	simm.s32 $0x4;
	v9 =	vadd.f32 v9, v7  }
.LBB2_9:
0x1b5: {  	p0 =	slt.u32 s0, $0x7C  }
0x1b6: {  	s1 =	sadd.s32 $0x100, s1;
	s17 =	smov.u32 s0;
	s0 =	sadd.s32 $0x4, s0;
	[tilespmem:v8+s18+$0x0] =	vst.idx.msk $0xffff, v9  }
0x1b7: {  	v8 =	vmov s17;
	v9 =	vld [tilespmem:s1+$0xFFFFFF80]  }
0x1b8: {  	v8 =	vand.u32 $0x7C, v8  }
0x1b9: {  	v10 =	vadd.s32 v0, v8;
	_ =	sdelay $0x2  }
0x1ba: {  	v9 =	vadd.f32 v9, v4;
	_ =	sdelay $0x1  }
0x1bb: {  	[tilespmem:v10+s18+$0x0] =	vst.idx.msk $0xffff, v9  }
0x1bc: {  	v9 =	vld [tilespmem:s1+$0xFFFFFF90];
	_ =	sdelay $0x1  }
0x1bd: {  	v10 =	vadd.s32 v1, v8;
	_ =	sdelay $0x2  }
0x1be: {  	v9 =	vadd.f32 v9, v5;
	_ =	sdelay $0x1  }
0x1bf: {  	[tilespmem:v10+s18+$0x0] =	vst.idx.msk $0xffff, v9  }
0x1c0: {  	v9 =	vld [tilespmem:s1+$0xFFFFFFA0];
	_ =	sdelay $0x1  }
0x1c1: {  	v10 =	vadd.s32 v2, v8;
	_ =	sdelay $0x2  }
0x1c2: {  	v9 =	vadd.f32 v9, v6;
	_ =	sdelay $0x1  }
0x1c3: {  	[tilespmem:v10+s18+$0x0] =	vst.idx.msk $0xffff, v9  }
0x1c4: {  	v9 =	vld [tilespmem:s1+$0xFFFFFFB0];
	_ =	sdelay $0x1  }
0x1c5: {  	v8 =	vadd.s32 v3, v8;
	_ =	sdelay $0x2  }
0x1c6: {  	v9 =	vadd.f32 v9, v7;
	_ =	sdelay $0x1  }
0x1c7: {  	s19 =	sadd.s32 $0x1, s17;
	[tilespmem:v8+s18+$0x0] =	vst.idx.msk $0xffff, v9  }
0x1c8: {  	v8 =	vmov s19;
	v9 =	vld [tilespmem:s1+$0xFFFFFFC0]  }
0x1c9: {  	v8 =	vand.u32 $0x7D, v8  }
0x1ca: {  	v10 =	vadd.s32 v0, v8;
	_ =	sdelay $0x2  }
0x1cb: {  	v9 =	vadd.f32 v9, v4;
	_ =	sdelay $0x1  }
0x1cc: {  	[tilespmem:v10+s18+$0x0] =	vst.idx.msk $0xffff, v9  }
0x1cd: {  	v9 =	vld [tilespmem:s1+$0xFFFFFFD0];
	_ =	sdelay $0x1  }
0x1ce: {  	v10 =	vadd.s32 v1, v8;
	_ =	sdelay $0x2  }
0x1cf: {  	v9 =	vadd.f32 v9, v5;
	_ =	sdelay $0x1  }
0x1d0: {  	[tilespmem:v10+s18+$0x0] =	vst.idx.msk $0xffff, v9  }
0x1d1: {  	v9 =	vld [tilespmem:s1+$0xFFFFFFE0];
	_ =	sdelay $0x1  }
0x1d2: {  	v10 =	vadd.s32 v2, v8;
	_ =	sdelay $0x2  }
0x1d3: {  	v9 =	vadd.f32 v9, v6;
	_ =	sdelay $0x1  }
0x1d4: {  	[tilespmem:v10+s18+$0x0] =	vst.idx.msk $0xffff, v9  }
0x1d5: {  	v9 =	vld [tilespmem:s1+$0xFFFFFFF0];
	_ =	sdelay $0x1  }
0x1d6: {  	v8 =	vadd.s32 v3, v8;
	_ =	sdelay $0x2  }
0x1d7: {  	v9 =	vadd.f32 v9, v7;
	_ =	sdelay $0x1  }
0x1d8: {  	s19 =	sadd.s32 $0x2, s17;
	[tilespmem:v8+s18+$0x0] =	vst.idx.msk $0xffff, v9  }
0x1d9: {  	v8 =	vmov s19;
	v9 =	vld [tilespmem:s1+$0x0]  }
0x1da: {  	v8 =	vand.u32 $0x7E, v8  }
0x1db: {  	v10 =	vadd.s32 v0, v8;
	_ =	sdelay $0x2  }
0x1dc: {  	v9 =	vadd.f32 v9, v4;
	_ =	sdelay $0x1  }
0x1dd: {  	[tilespmem:v10+s18+$0x0] =	vst.idx.msk $0xffff, v9  }
0x1de: {  	v9 =	vld [tilespmem:s1+$0x10];
	_ =	sdelay $0x1  }
0x1df: {  	v10 =	vadd.s32 v1, v8;
	_ =	sdelay $0x2  }
0x1e0: {  	v9 =	vadd.f32 v9, v5;
	_ =	sdelay $0x1  }
0x1e1: {  	[tilespmem:v10+s18+$0x0] =	vst.idx.msk $0xffff, v9  }
0x1e2: {  	v9 =	vld [tilespmem:s1+$0x20];
	_ =	sdelay $0x1  }
0x1e3: {  	v10 =	vadd.s32 v2, v8;
	_ =	sdelay $0x2  }
0x1e4: {  	v9 =	vadd.f32 v9, v6;
	_ =	sdelay $0x1  }
0x1e5: {  	[tilespmem:v10+s18+$0x0] =	vst.idx.msk $0xffff, v9  }
0x1e6: {  	v9 =	vld [tilespmem:s1+$0x30];
	_ =	sdelay $0x1  }
0x1e7: {  	v8 =	vadd.s32 v3, v8;
	_ =	sdelay $0x2  }
0x1e8: {  	v9 =	vadd.f32 v9, v7;
	_ =	sdelay $0x1  }
0x1e9: {  	s17 =	sadd.s32 $0x3, s17;
	[tilespmem:v8+s18+$0x0] =	vst.idx.msk $0xffff, v9  }
0x1ea: {  	v8 =	vmov s17;
	v9 =	vld [tilespmem:s1+$0x40]  }
0x1eb: {  	v8 =	vand.u32 $0x7F, v8  }
0x1ec: {  	v10 =	vadd.s32 v0, v8;
	_ =	sdelay $0x2  }
0x1ed: {  	v9 =	vadd.f32 v9, v4;
	_ =	sdelay $0x1  }
0x1ee: {  	[tilespmem:v10+s18+$0x0] =	vst.idx.msk $0xffff, v9  }
0x1ef: {  	v9 =	vld [tilespmem:s1+$0x50];
	_ =	sdelay $0x1  }
0x1f0: {  	v10 =	vadd.s32 v1, v8;
	_ =	sdelay $0x2  }
0x1f1: {  	v9 =	vadd.f32 v9, v5;
	_ =	sdelay $0x1  }
0x1f2: {  	[tilespmem:v10+s18+$0x0] =	vst.idx.msk $0xffff, v9  }
0x1f3: {  	v9 =	vld [tilespmem:s1+$0x60];
	_ =	sdelay $0x1  }
0x1f4: {  	v10 =	vadd.s32 v2, v8;
	_ =	sdelay $0x2  }
0x1f5: {  	v9 =	vadd.f32 v9, v6;
	_ =	sdelay $0x1  }
0x1f6: {  	[tilespmem:v10+s18+$0x0] =	vst.idx.msk $0xffff, v9  }
0x1f7: {  	v9 =	vld [tilespmem:s1+$0x70]  }
.Ltmp4:
0x1f8: {  	(pc) =	sbr.rel @p0 .LBB2_9-.Ltmp4, $2  }
0x1f9: {  	v8 =	vadd.s32 v3, v8;
	_ =	sdelay $0x2  }
0x1fa: {  	v9 =	vadd.f32 v9, v7  }
0x1fb: {  	_ = 	snop  }
0x1fc: {  	s0 =	sshll.u32 s31, $0x12  }
0x1fd: {  	s0 =	sor.u32 s7, s0  }
0x1fe: {  	s0 =	sshrl.u32 s0, $0x3  }
0x1ff: {  	[tilespmem:v8+s18+$0x0] =	vst.idx.msk $0xffff, v9;
	s1 =	sadd.s32 s2, s0  }
0x200: {  	[hbm4b:s1+s3] =	stream.linear.scatter [tilespmem:s18], [sflag:$0x4], $0x80, $0x38;
	[tilespmem:$0x11A00] =	vst v63  }
0x201: {  	s19 =	simm.s32 $0xF888;
	s17 =	sadd.s32 $0x10, s1  }
0x202: {  	[hbm4b:s17+s3] =	stream.linear.scatter [tilespmem:s19], [sflag:$0x4], $0x80, $0x38;
	[tilespmem:$0x11A00] =	vst v63  }
0x203: {  	s31 =	simm.s32 $0xF910;
	s19 =	sadd.s32 $0x20, s1  }
0x204: {  	[hbm4b:s19+s3] =	stream.linear.scatter [tilespmem:s31], [sflag:$0x4], $0x80, $0x38;
	[tilespmem:$0x11A00] =	vst v63  }
0x205: {  	s19 =	sadd.s32 $0x30, s1;
	s31 =	simm.s32 $0xF998  }
0x206: {  	[hbm4b:s19+s3] =	stream.linear.scatter [tilespmem:s31], [sflag:$0x4], $0x80, $0x38;
	[tilespmem:$0x11A00] =	vst v63  }
0x207: {  	s19 =	sadd.s32 $0x40, s1;
	s31 =	simm.s32 $0xFA20  }
0x208: {  	[hbm4b:s19+s3] =	stream.linear.scatter [tilespmem:s31], [sflag:$0x4], $0x80, $0x38;
	[tilespmem:$0x11A00] =	vst v63  }
0x209: {  	s19 =	sadd.s32 $0x50, s1;
	s31 =	simm.s32 $0xFAA8  }
0x20a: {  	[hbm4b:s19+s3] =	stream.linear.scatter [tilespmem:s31], [sflag:$0x4], $0x80, $0x38;
	[tilespmem:$0x11A00] =	vst v63  }
0x20b: {  	s19 =	sadd.s32 $0x60, s1;
	s31 =	simm.s32 $0xFB30  }
0x20c: {  	[hbm4b:s19+s3] =	stream.linear.scatter [tilespmem:s31], [sflag:$0x4], $0x80, $0x38;
	[tilespmem:$0x11A00] =	vst v63  }
0x20d: {  	s1 =	sadd.s32 $0x70, s1;
	s19 =	simm.s32 $0xFBB8  }
0x20e: {  	[hbm4b:s1+s3] =	stream.linear.scatter [tilespmem:s19], [sflag:$0x4], $0x80, $0x38;
	[tilespmem:$0x11A00] =	vst v63  }
0x20f: {  	s31 =	simm.s32 $0xFC40;
	s1 =	sadd.s32 s0, s8  }
0x210: {  	[hbm4b:s1+s3] =	stream.linear.scatter [tilespmem:s31], [sflag:$0x4], $0x80, $0x38;
	[tilespmem:$0x11A00] =	vst v63  }
0x211: {  	s19 =	sadd.s32 $0x10, s1;
	s31 =	simm.s32 $0xFCC8  }
0x212: {  	[hbm4b:s19+s3] =	stream.linear.scatter [tilespmem:s31], [sflag:$0x4], $0x80, $0x38;
	[tilespmem:$0x11A00] =	vst v63  }
0x213: {  	s19 =	sadd.s32 $0x20, s1;
	s31 =	simm.s32 $0xFD50  }
0x214: {  	[hbm4b:s19+s3] =	stream.linear.scatter [tilespmem:s31], [sflag:$0x4], $0x80, $0x38;
	[tilespmem:$0x11A00] =	vst v63  }
0x215: {  	s19 =	sadd.s32 $0x30, s1;
	s31 =	simm.s32 $0xFDD8  }
0x216: {  	[hbm4b:s19+s3] =	stream.linear.scatter [tilespmem:s31], [sflag:$0x4], $0x80, $0x38;
	[tilespmem:$0x11A00] =	vst v63  }
0x217: {  	s19 =	sadd.s32 $0x40, s1;
	s31 =	simm.s32 $0xFE60  }
0x218: {  	[hbm4b:s19+s3] =	stream.linear.scatter [tilespmem:s31], [sflag:$0x4], $0x80, $0x38;
	[tilespmem:$0x11A00] =	vst v63  }
0x219: {  	s19 =	sadd.s32 $0x50, s1;
	s31 =	simm.s32 $0xFEE8  }
0x21a: {  	[hbm4b:s19+s3] =	stream.linear.scatter [tilespmem:s31], [sflag:$0x4], $0x80, $0x38;
	[tilespmem:$0x11A00] =	vst v63  }
0x21b: {  	s19 =	sadd.s32 $0x60, s1;
	s31 =	simm.s32 $0xFF70  }
0x21c: {  	[hbm4b:s19+s3] =	stream.linear.scatter [tilespmem:s31], [sflag:$0x4], $0x80, $0x38;
	[tilespmem:$0x11A00] =	vst v63  }
0x21d: {  	s1 =	sadd.s32 $0x70, s1;
	s19 =	simm.s32 $0xFFF8  }
0x21e: {  	[hbm4b:s1+s3] =	stream.linear.scatter [tilespmem:s19], [sflag:$0x4], $0x80, $0x38;
	[tilespmem:$0x11A00] =	vst v63  }
0x21f: {  	s31 =	simm.s32 $0x10080;
	s1 =	sadd.s32 s0, s9  }
0x220: {  	[hbm4b:s1+s3] =	stream.linear.scatter [tilespmem:s31], [sflag:$0x4], $0x80, $0x38;
	[tilespmem:$0x11A00] =	vst v63  }
0x221: {  	s19 =	sadd.s32 $0x10, s1;
	s31 =	simm.s32 $0x10108  }
0x222: {  	[hbm4b:s19+s3] =	stream.linear.scatter [tilespmem:s31], [sflag:$0x4], $0x80, $0x38;
	[tilespmem:$0x11A00] =	vst v63  }
0x223: {  	s19 =	sadd.s32 $0x20, s1;
	s31 =	simm.s32 $0x10190  }
0x224: {  	[hbm4b:s19+s3] =	stream.linear.scatter [tilespmem:s31], [sflag:$0x4], $0x80, $0x38;
	[tilespmem:$0x11A00] =	vst v63  }
0x225: {  	s19 =	sadd.s32 $0x30, s1;
	s31 =	simm.s32 $0x10218  }
0x226: {  	[hbm4b:s19+s3] =	stream.linear.scatter [tilespmem:s31], [sflag:$0x4], $0x80, $0x38;
	[tilespmem:$0x11A00] =	vst v63  }
0x227: {  	s19 =	sadd.s32 $0x40, s1;
	s31 =	simm.s32 $0x102A0  }
0x228: {  	[hbm4b:s19+s3] =	stream.linear.scatter [tilespmem:s31], [sflag:$0x4], $0x80, $0x38;
	[tilespmem:$0x11A00] =	vst v63  }
0x229: {  	s19 =	sadd.s32 $0x50, s1;
	s31 =	simm.s32 $0x10328  }
0x22a: {  	[hbm4b:s19+s3] =	stream.linear.scatter [tilespmem:s31], [sflag:$0x4], $0x80, $0x38;
	[tilespmem:$0x11A00] =	vst v63  }
0x22b: {  	s19 =	sadd.s32 $0x60, s1;
	s31 =	simm.s32 $0x103B0  }
0x22c: {  	[hbm4b:s19+s3] =	stream.linear.scatter [tilespmem:s31], [sflag:$0x4], $0x80, $0x38;
	[tilespmem:$0x11A00] =	vst v63  }
0x22d: {  	s1 =	sadd.s32 $0x70, s1;
	s19 =	simm.s32 $0x10438  }
0x22e: {  	[hbm4b:s1+s3] =	stream.linear.scatter [tilespmem:s19], [sflag:$0x4], $0x80, $0x38;
	[tilespmem:$0x11A00] =	vst v63  }
0x22f: {  	s31 =	simm.s32 $0x104C0;
	s1 =	sadd.s32 s0, s10  }
0x230: {  	[hbm4b:s1+s3] =	stream.linear.scatter [tilespmem:s31], [sflag:$0x4], $0x80, $0x38;
	[tilespmem:$0x11A00] =	vst v63  }
0x231: {  	s19 =	sadd.s32 $0x10, s1;
	s31 =	simm.s32 $0x10548  }
0x232: {  	[hbm4b:s19+s3] =	stream.linear.scatter [tilespmem:s31], [sflag:$0x4], $0x80, $0x38;
	[tilespmem:$0x11A00] =	vst v63  }
0x233: {  	s19 =	sadd.s32 $0x20, s1;
	s31 =	simm.s32 $0x105D0  }
0x234: {  	[hbm4b:s19+s3] =	stream.linear.scatter [tilespmem:s31], [sflag:$0x4], $0x80, $0x38;
	[tilespmem:$0x11A00] =	vst v63  }
0x235: {  	s19 =	sadd.s32 $0x30, s1;
	s31 =	simm.s32 $0x10658  }
0x236: {  	[hbm4b:s19+s3] =	stream.linear.scatter [tilespmem:s31], [sflag:$0x4], $0x80, $0x38;
	[tilespmem:$0x11A00] =	vst v63  }
0x237: {  	s19 =	sadd.s32 $0x40, s1;
	s31 =	simm.s32 $0x106E0  }
0x238: {  	[hbm4b:s19+s3] =	stream.linear.scatter [tilespmem:s31], [sflag:$0x4], $0x80, $0x38;
	[tilespmem:$0x11A00] =	vst v63  }
0x239: {  	s19 =	sadd.s32 $0x50, s1;
	s31 =	simm.s32 $0x10768  }
0x23a: {  	[hbm4b:s19+s3] =	stream.linear.scatter [tilespmem:s31], [sflag:$0x4], $0x80, $0x38;
	[tilespmem:$0x11A00] =	vst v63  }
0x23b: {  	s19 =	sadd.s32 $0x60, s1;
	s31 =	simm.s32 $0x107F0  }
0x23c: {  	[hbm4b:s19+s3] =	stream.linear.scatter [tilespmem:s31], [sflag:$0x4], $0x80, $0x38;
	[tilespmem:$0x11A00] =	vst v63  }
0x23d: {  	s1 =	sadd.s32 $0x70, s1;
	s19 =	simm.s32 $0x10878  }
0x23e: {  	[hbm4b:s1+s3] =	stream.linear.scatter [tilespmem:s19], [sflag:$0x4], $0x80, $0x38;
	[tilespmem:$0x11A00] =	vst v63  }
0x23f: {  	s31 =	simm.s32 $0x10900;
	s1 =	sadd.s32 s0, s11  }
0x240: {  	[hbm4b:s1+s3] =	stream.linear.scatter [tilespmem:s31], [sflag:$0x4], $0x80, $0x38;
	[tilespmem:$0x11A00] =	vst v63  }
0x241: {  	s19 =	sadd.s32 $0x10, s1;
	s31 =	simm.s32 $0x10988  }
0x242: {  	[hbm4b:s19+s3] =	stream.linear.scatter [tilespmem:s31], [sflag:$0x4], $0x80, $0x38;
	[tilespmem:$0x11A00] =	vst v63  }
0x243: {  	s19 =	sadd.s32 $0x20, s1;
	s31 =	simm.s32 $0x10A10  }
0x244: {  	[hbm4b:s19+s3] =	stream.linear.scatter [tilespmem:s31], [sflag:$0x4], $0x80, $0x38;
	[tilespmem:$0x11A00] =	vst v63  }
0x245: {  	s19 =	sadd.s32 $0x30, s1;
	s31 =	simm.s32 $0x10A98  }
0x246: {  	[hbm4b:s19+s3] =	stream.linear.scatter [tilespmem:s31], [sflag:$0x4], $0x80, $0x38;
	[tilespmem:$0x11A00] =	vst v63  }
0x247: {  	s19 =	sadd.s32 $0x40, s1;
	s31 =	simm.s32 $0x10B20  }
0x248: {  	[hbm4b:s19+s3] =	stream.linear.scatter [tilespmem:s31], [sflag:$0x4], $0x80, $0x38;
	[tilespmem:$0x11A00] =	vst v63  }
0x249: {  	s19 =	sadd.s32 $0x50, s1;
	s31 =	simm.s32 $0x10BA8  }
0x24a: {  	[hbm4b:s19+s3] =	stream.linear.scatter [tilespmem:s31], [sflag:$0x4], $0x80, $0x38;
	[tilespmem:$0x11A00] =	vst v63  }
0x24b: {  	s19 =	sadd.s32 $0x60, s1;
	s31 =	simm.s32 $0x10C30  }
0x24c: {  	[hbm4b:s19+s3] =	stream.linear.scatter [tilespmem:s31], [sflag:$0x4], $0x80, $0x38;
	[tilespmem:$0x11A00] =	vst v63  }
0x24d: {  	s1 =	sadd.s32 $0x70, s1;
	s19 =	simm.s32 $0x10CB8  }
0x24e: {  	[hbm4b:s1+s3] =	stream.linear.scatter [tilespmem:s19], [sflag:$0x4], $0x80, $0x38;
	[tilespmem:$0x11A00] =	vst v63  }
0x24f: {  	s31 =	simm.s32 $0x10D40;
	s1 =	sadd.s32 s0, s12  }
0x250: {  	[hbm4b:s1+s3] =	stream.linear.scatter [tilespmem:s31], [sflag:$0x4], $0x80, $0x38;
	[tilespmem:$0x11A00] =	vst v63  }
0x251: {  	s19 =	sadd.s32 $0x10, s1;
	s31 =	simm.s32 $0x10DC8  }
0x252: {  	[hbm4b:s19+s3] =	stream.linear.scatter [tilespmem:s31], [sflag:$0x4], $0x80, $0x38;
	[tilespmem:$0x11A00] =	vst v63  }
0x253: {  	s19 =	sadd.s32 $0x20, s1;
	s31 =	simm.s32 $0x10E50  }
0x254: {  	[hbm4b:s19+s3] =	stream.linear.scatter [tilespmem:s31], [sflag:$0x4], $0x80, $0x38;
	[tilespmem:$0x11A00] =	vst v63  }
0x255: {  	s19 =	sadd.s32 $0x30, s1;
	s31 =	simm.s32 $0x10ED8  }
0x256: {  	[hbm4b:s19+s3] =	stream.linear.scatter [tilespmem:s31], [sflag:$0x4], $0x80, $0x38;
	[tilespmem:$0x11A00] =	vst v63  }
0x257: {  	s19 =	sadd.s32 $0x40, s1;
	s31 =	simm.s32 $0x10F60  }
0x258: {  	[hbm4b:s19+s3] =	stream.linear.scatter [tilespmem:s31], [sflag:$0x4], $0x80, $0x38;
	[tilespmem:$0x11A00] =	vst v63  }
0x259: {  	s19 =	sadd.s32 $0x50, s1;
	s31 =	simm.s32 $0x10FE8  }
0x25a: {  	[hbm4b:s19+s3] =	stream.linear.scatter [tilespmem:s31], [sflag:$0x4], $0x80, $0x38;
	[tilespmem:$0x11A00] =	vst v63  }
0x25b: {  	s19 =	sadd.s32 $0x60, s1;
	s31 =	simm.s32 $0x11070  }
0x25c: {  	[hbm4b:s19+s3] =	stream.linear.scatter [tilespmem:s31], [sflag:$0x4], $0x80, $0x38;
	[tilespmem:$0x11A00] =	vst v63  }
0x25d: {  	s1 =	sadd.s32 $0x70, s1;
	s19 =	simm.s32 $0x110F8  }
0x25e: {  	[hbm4b:s1+s3] =	stream.linear.scatter [tilespmem:s19], [sflag:$0x4], $0x80, $0x38;
	[tilespmem:$0x11A00] =	vst v63  }
0x25f: {  	s31 =	simm.s32 $0x11180;
	s1 =	sadd.s32 s0, s13  }
0x260: {  	[hbm4b:s1+s3] =	stream.linear.scatter [tilespmem:s31], [sflag:$0x4], $0x80, $0x38;
	[tilespmem:$0x11A00] =	vst v63  }
0x261: {  	s19 =	sadd.s32 $0x10, s1;
	s31 =	simm.s32 $0x11208  }
0x262: {  	[hbm4b:s19+s3] =	stream.linear.scatter [tilespmem:s31], [sflag:$0x4], $0x80, $0x38;
	[tilespmem:$0x11A00] =	vst v63  }
0x263: {  	s19 =	sadd.s32 $0x20, s1;
	s31 =	simm.s32 $0x11290  }
0x264: {  	[hbm4b:s19+s3] =	stream.linear.scatter [tilespmem:s31], [sflag:$0x4], $0x80, $0x38;
	[tilespmem:$0x11A00] =	vst v63  }
0x265: {  	s19 =	sadd.s32 $0x30, s1;
	s31 =	simm.s32 $0x11318  }
0x266: {  	[hbm4b:s19+s3] =	stream.linear.scatter [tilespmem:s31], [sflag:$0x4], $0x80, $0x38;
	[tilespmem:$0x11A00] =	vst v63  }
0x267: {  	s19 =	sadd.s32 $0x40, s1;
	s31 =	simm.s32 $0x113A0  }
0x268: {  	[hbm4b:s19+s3] =	stream.linear.scatter [tilespmem:s31], [sflag:$0x4], $0x80, $0x38;
	[tilespmem:$0x11A00] =	vst v63  }
0x269: {  	s19 =	sadd.s32 $0x50, s1;
	s31 =	simm.s32 $0x11428  }
0x26a: {  	[hbm4b:s19+s3] =	stream.linear.scatter [tilespmem:s31], [sflag:$0x4], $0x80, $0x38;
	[tilespmem:$0x11A00] =	vst v63  }
0x26b: {  	s19 =	sadd.s32 $0x60, s1;
	s31 =	simm.s32 $0x114B0  }
0x26c: {  	[hbm4b:s19+s3] =	stream.linear.scatter [tilespmem:s31], [sflag:$0x4], $0x80, $0x38;
	[tilespmem:$0x11A00] =	vst v63  }
0x26d: {  	s1 =	sadd.s32 $0x70, s1;
	s31 =	simm.s32 $0x11538  }
0x26e: {  	[hbm4b:s1+s3] =	stream.linear.scatter [tilespmem:s31], [sflag:$0x4], $0x80, $0x38;
	[tilespmem:$0x11A00] =	vst v63  }
0x26f: {  	s0 =	sadd.s32 s0, s14  }
0x270: {  	[hbm4b:s0+s3] =	stream.linear.scatter [tilespmem:s5], [sflag:$0x4], $0x80, $0x38;
	[tilespmem:$0x11A00] =	vst v63  }
0x271: {  	s17 =	sadd.s32 $0x10, s0  }
0x272: {  	[hbm4b:s17+s3] =	stream.linear.scatter [tilespmem:s20], [sflag:$0x4], $0x80, $0x38;
	[tilespmem:$0x11A00] =	vst v63  }
0x273: {  	s19 =	sadd.s32 $0x20, s0  }
0x274: {  	[hbm4b:s19+s3] =	stream.linear.scatter [tilespmem:s21], [sflag:$0x4], $0x80, $0x38;
	[tilespmem:$0x11A00] =	vst v63  }
0x275: {  	s31 =	sadd.s32 $0x30, s0  }
0x276: {  	[hbm4b:s31+s3] =	stream.linear.scatter [tilespmem:s24], [sflag:$0x4], $0x80, $0x38;
	[tilespmem:$0x11A00] =	vst v63  }
0x277: {  	s30 =	sadd.s32 $0x1, s30;
	s17 =	sadd.s32 $0x40, s0  }
0x278: {  	[hbm4b:s17+s3] =	stream.linear.scatter [tilespmem:s25], [sflag:$0x4], $0x80, $0x38;
	[tilespmem:$0x11A00] =	vst v63  }
0x279: {  	p0 =	sne.s32 s30, $0x64;
	s19 =	sadd.s32 $0x50, s0  }
0x27a: {  	[hbm4b:s19+s3] =	stream.linear.scatter [tilespmem:s26], [sflag:$0x4], $0x80, $0x38;
	[tilespmem:$0x11A00] =	vst v63  }
.Ltmp5:
0x27b: {  	_ = 	snop;
	(pc) =	sbr.rel @p0 .LBB2_2-.Ltmp5, $4  }
0x27c: {  	s31 =	sadd.s32 $0x60, s0  }
0x27d: {  	[hbm4b:s31+s3] =	stream.linear.scatter [tilespmem:s28], [sflag:$0x4], $0x80, $0x38;
	[tilespmem:$0x11A00] =	vst v63  }
0x27e: {  	s0 =	sadd.s32 $0x70, s0  }
0x27f: {  	[hbm4b:s0+s3] =	stream.linear.scatter [tilespmem:s29], [sflag:$0x4], $0x80, $0x38;
	[tilespmem:$0x11A00] =	vst v63  }
0x280: {  	s0 =	simm.s32 $0x3  }
0x281: {  	_ =	swait.ge [sflag:s0], $0x400  }
0x282: {  	[sflag:s0] =	ssyncset.done $0x0  }
0x283: {  	[sflag:s0] =	ssyncadd.s32 $0xFFFFFC00  }
0x284: {  	_ =	swait.ge [sflag:s0], $0x400  }
0x285: {  	[sflag:s0] =	ssyncset.done $0x0  }
0x286: {  	[sflag:s0] =	ssyncadd.s32 $0xFFFFFC00  }
0x287: {  	_ =	swait.ge [sflag:s0], $0x400  }
0x288: {  	[sflag:s0] =	ssyncset.done $0x0  }
0x289: {  	[sflag:s0] =	ssyncadd.s32 $0xFFFFFC00  }
0x28a: {  	_ =	swait.ge [sflag:s0], $0x400  }
0x28b: {  	[sflag:s0] =	ssyncset.done $0x0  }
0x28c: {  	[sflag:s0] =	ssyncadd.s32 $0xFFFFFC00  }
0x28d: {  	_ =	swait.ge [sflag:s0], $0x400  }
0x28e: {  	[sflag:s0] =	ssyncset.done $0x0  }
0x28f: {  	[sflag:s0] =	ssyncadd.s32 $0xFFFFFC00  }
0x290: {  	_ =	swait.ge [sflag:s0], $0x400  }
0x291: {  	[sflag:s0] =	ssyncset.done $0x0  }
0x292: {  	[sflag:s0] =	ssyncadd.s32 $0xFFFFFC00  }
0x293: {  	_ =	swait.ge [sflag:s0], $0x400  }
0x294: {  	[sflag:s0] =	ssyncset.done $0x0  }
0x295: {  	[sflag:s0] =	ssyncadd.s32 $0xFFFFFC00  }
0x296: {  	_ =	swait.ge [sflag:s0], $0x400  }
0x297: {  	[sflag:s0] =	ssyncset.done $0x0  }
0x298: {  	[sflag:s0] =	ssyncadd.s32 $0xFFFFFC00  }
0x299: {  	_ =	swait.ge [sflag:s15], $0x400  }
0x29a: {  	[sflag:s15] =	ssyncset.done $0x0  }
0x29b: {  	[sflag:s15] =	ssyncadd.s32 $0xFFFFFC00  }
0x29c: {  	_ =	swait.ge [sflag:s15], $0x400  }
0x29d: {  	[sflag:s15] =	ssyncset.done $0x0  }
0x29e: {  	[sflag:s15] =	ssyncadd.s32 $0xFFFFFC00  }
0x29f: {  	_ =	swait.ge [sflag:s15], $0x400  }
0x2a0: {  	[sflag:s15] =	ssyncset.done $0x0  }
0x2a1: {  	[sflag:s15] =	ssyncadd.s32 $0xFFFFFC00  }
0x2a2: {  	_ =	swait.ge [sflag:s15], $0x400  }
0x2a3: {  	[sflag:s15] =	ssyncset.done $0x0  }
0x2a4: {  	[sflag:s15] =	ssyncadd.s32 $0xFFFFFC00  }
0x2a5: {  	_ =	swait.ge [sflag:s15], $0x400  }
0x2a6: {  	[sflag:s15] =	ssyncset.done $0x0  }
0x2a7: {  	[sflag:s15] =	ssyncadd.s32 $0xFFFFFC00  }
0x2a8: {  	_ =	swait.ge [sflag:s15], $0x400  }
0x2a9: {  	[sflag:s15] =	ssyncset.done $0x0  }
0x2aa: {  	[sflag:s15] =	ssyncadd.s32 $0xFFFFFC00  }
0x2ab: {  	_ =	swait.ge [sflag:s15], $0x400  }
0x2ac: {  	[sflag:s15] =	ssyncset.done $0x0  }
0x2ad: {  	[sflag:s15] =	ssyncadd.s32 $0xFFFFFC00  }
0x2ae: {  	_ =	swait.ge [sflag:s15], $0x400  }
0x2af: {  	s1 =	rddreg [dreg:$0x6]  }
0x2b0: {  	s31 =	rddreg [dreg:$0x5];
	s1 =	sadd.s32 $0x1, s1  }
0x2b1: {  	p0 =	sne.s32 s1, s31  }
.Ltmp6:
0x2b2: {  	_ = 	snop;
	(pc) =	sbr.rel @p0 .LBB2_1-.Ltmp6, $3  }
0x2b3: {  	_ =	sdelay $0x1  }
0x2b4: {  	[sflag:s15] =	ssyncset.done $0x0  }
0x2b5: {  	[sflag:s15] =	ssyncadd.s32 $0xFFFFFC00  }
0x2b6: {  	_ =	sfence.sel $0x180000  }
0x2b7: {  	[bflag:$0x0] =	sbarrier.arrive $0xFFFF  }
0x2b8: {  	_ =	strace $0x90000047  }
0x2b9: {  	s0 =	stileid.u32;
	[bflag:$0x2] =	sbarrier.arrive $0xFFFF  }
0x2ba: {  	p0 =	sne.s32 s0, $0x0;
	s0 =	rddreg [dreg:$0x2]  }
0x2bb: {  	s0 =	sadd.s32 @!p0 $0x100000, s0  }
0x2bc: {  	[sflag:s0] =	ssyncadd.tile.s32 @!p0 $0x1;
	_ =	shalt  }
.Lfunc_end2:
_tile_overlayer_lowered:
.L_overlay_start_2:
0x2bd: {  	(tag) =	ssettag $0x2  }
0x2be: {  	s0 =	rddreg [dreg:$0x0];
	s2 =	stileid.u32  }
0x2bf: {  	s1 =	rddreg [dreg:$0x1];
	p0 =	sne.s32 s2, $0x0  }
0x2c0: {  	s3 =	rddreg [dreg:$0x2];
	[bflag:$0x3] =	sbarrier.arrive $0xFFFF;
	s2 =	simm.s32 @!p0 $0x1C05  }
0x2c1: {  	[timem:s3], [sflag:s2] =	dma.local @!p0 [hbm:s0], s1  }
0x2c2: {  	s0 =	simm.s32 @!p0 $0x5  }
0x2c3: {  	_ =	swait.ge @!p0 [sflag:s0], s1  }
0x2c4: {  	s1 =	ssub.s32 @!p0 $0x0, s1;
	[sflag:s0] =	ssyncset.done @!p0 $0x0  }
0x2c5: {  	[sflag:s0] =	ssyncadd.s32 @!p0 s1  }
0x2c6: {  	[bflag:$0x3] =	sbarrier.arrive $0xFFFF  }
0x2c7: {  	_ =	shalt  }

</sc_bundles>
